<compile_context>
chip_gen: v7x
topology: tpu7x:2x2x1
jax: 0.10.2.dev20260603
libtpu: 0.0.44.dev20260713+nightly
codegen_flags: <defaults>
</compile_context>

<pallas_src>
import functools

import jax
import jax.numpy as jnp
from jax import lax
from jax.experimental import pallas as pl
from jax.experimental.pallas import tpu as pltpu
from jax.experimental.pallas import tpu_sc as plsc

N_NODES = 10000
N_EDGES = 160000
D_FEAT = 256
D_OUT = 256
H = 128
NC = 2
NS = 16
CHUNK = 128
STAGES = 2
SCPT = 40
CPT = STAGES * SCPT
E_PAD = NS * CHUNK * CPT
AGG_ROWS = 10112
ZSTRIPE = AGG_ROWS // NS
ZCHUNK = 48


def _sc_agg_kernel():
    mesh = plsc.VectorSubcoreMesh(core_axis_name="c", subcore_axis_name="s")

    @functools.partial(
        pl.kernel,
        out_type=jax.ShapeDtypeStruct((NC, AGG_ROWS, H), jnp.float32),
        mesh=mesh,
        scratch_types=[
            pltpu.VMEM((SCPT, CHUNK), jnp.int32),
            pltpu.VMEM((SCPT, CHUNK), jnp.int32),
            pltpu.VMEM((CHUNK, H), jnp.float32),
            pltpu.VMEM((CHUNK, H), jnp.float32),
            pltpu.VMEM((ZCHUNK, H), jnp.float32),
            pltpu.VMEM_SHARED((AGG_ROWS, H), jnp.float32),
            pltpu.SemaphoreType.DMA,
            pltpu.SemaphoreType.DMA,
        ],
    )
    def sc_agg(x_hbm, col_hbm, row_hbm, out_hbm,
               colv, rowv, bufa, bufb, zbuf, aggsh, sema, semb):
        cid = lax.axis_index("c")
        sid = lax.axis_index("s")

        for s in range(STAGES):
            pltpu.sync_copy(col_hbm.at[cid, sid, s], colv)
            pltpu.sync_copy(row_hbm.at[sid, s], rowv)
            pltpu.async_copy(x_hbm.at[colv.at[0]], bufa, sema)
            pltpu.async_copy(x_hbm.at[colv.at[1]], bufb, semb)

            if s == 0:
                zv = jnp.zeros((16,), jnp.float32)

                def zrow(r, carry):
                    for c in range(H // 16):
                        zbuf[r, pl.ds(c * 16, 16)] = zv
                    return carry

                lax.fori_loop(0, ZCHUNK, zrow, 0, unroll=False)
                for k in range(ZSTRIPE // ZCHUNK):
                    pltpu.sync_copy(
                        zbuf,
                        aggsh.at[pl.ds(sid * ZSTRIPE + k * ZCHUNK, ZCHUNK)])
                rem = ZSTRIPE % ZCHUNK
                if rem:
                    pltpu.sync_copy(
                        zbuf.at[pl.ds(0, rem)],
                        aggsh.at[pl.ds(sid * ZSTRIPE + (ZSTRIPE - rem), rem)])
                plsc.subcore_barrier()

            def body(i, carry):
                g = 2 * i
                pltpu.make_async_copy(x_hbm.at[colv.at[g]], bufa, sema).wait()
                pltpu.sync_copy(bufa, aggsh.at[rowv.at[g]], add=True)
                pltpu.async_copy(x_hbm.at[colv.at[g + 2]], bufa, sema)
                pltpu.make_async_copy(x_hbm.at[colv.at[g + 1]], bufb, semb).wait()
                pltpu.sync_copy(bufb, aggsh.at[rowv.at[g + 1]], add=True)
                pltpu.async_copy(x_hbm.at[colv.at[g + 3]], bufb, semb)
                return carry

            lax.fori_loop(0, SCPT // 2 - 1, body, 0, unroll=False)
            g_last = SCPT - 2
            pltpu.make_async_copy(x_hbm.at[colv.at[g_last]], bufa, sema).wait()
            pltpu.sync_copy(bufa, aggsh.at[rowv.at[g_last]], add=True)
            pltpu.make_async_copy(x_hbm.at[colv.at[g_last + 1]], bufb, semb).wait()
            pltpu.sync_copy(bufb, aggsh.at[rowv.at[g_last + 1]], add=True)

        plsc.subcore_barrier()
        pltpu.sync_copy(aggsh.at[pl.ds(sid * ZSTRIPE, ZSTRIPE)],
                        out_hbm.at[cid, pl.ds(sid * ZSTRIPE, ZSTRIPE)])

    return sc_agg


_SC_AGG = _sc_agg_kernel()

BM = 1000


def _tc_body(x_ref, a0_ref, a1_ref, w1_ref, w2a_ref, w2b_ref, b_ref, o_ref):
    bf = jnp.bfloat16
    acc = jnp.dot(x_ref[...].astype(bf), w1_ref[...].astype(bf),
                  preferred_element_type=jnp.float32)
    acc += jnp.dot(a0_ref[0].astype(bf), w2a_ref[...].astype(bf),
                   preferred_element_type=jnp.float32)
    acc += jnp.dot(a1_ref[0].astype(bf), w2b_ref[...].astype(bf),
                   preferred_element_type=jnp.float32)
    acc += b_ref[...]
    o_ref[...] = jnp.maximum(acc, 0.0)


def _tc_linear(x, agg, w1, w2a, w2b, b2d):
    return pl.pallas_call(
        _tc_body,
        grid=(N_NODES // BM,),
        in_specs=[
            pl.BlockSpec((BM, D_FEAT), lambda i: (i, 0)),
            pl.BlockSpec((1, BM, H), lambda i: (0, i, 0)),
            pl.BlockSpec((1, BM, H), lambda i: (1, i, 0)),
            pl.BlockSpec((D_FEAT, D_OUT), lambda i: (0, 0)),
            pl.BlockSpec((H, D_OUT), lambda i: (0, 0)),
            pl.BlockSpec((H, D_OUT), lambda i: (0, 0)),
            pl.BlockSpec((1, D_OUT), lambda i: (0, 0)),
        ],
        out_specs=pl.BlockSpec((BM, D_OUT), lambda i: (i, 0)),
        out_shape=jax.ShapeDtypeStruct((N_NODES, D_OUT), jnp.float32),
    )(x, agg, agg, w1, w2a, w2b, b2d)


def kernel(x, edge_index, W, b):
    row = edge_index[0].astype(jnp.int32)
    col = edge_index[1].astype(jnp.int32)
    pad = E_PAD - N_EDGES
    ar = jnp.arange(pad, dtype=jnp.int32)
    row_p = jnp.concatenate(
        [row, N_NODES + (ar % (AGG_ROWS - N_NODES))])
    row_p = row_p.reshape(NS, STAGES, SCPT, CHUNK)
    pad_col = (ar * 37) % (2 * N_NODES)
    colb = jnp.concatenate([2 * col, pad_col])
    colb2 = jnp.concatenate([2 * col + 1, pad_col])
    col_p = jnp.stack([colb, colb2]).reshape(NC, NS, STAGES, SCPT, CHUNK)
    x_flat = x.reshape(2 * N_NODES, H)

    agg = _SC_AGG(x_flat, col_p, row_p)

    w1 = W[:D_FEAT]
    w2a = W[D_FEAT:D_FEAT + H]
    w2b = W[D_FEAT + H:]
    out = _tc_linear(x, agg, w1, w2a, w2b, b.reshape(1, D_OUT))
    return out

# --- scband reference (transcript-rebuilt; emitter-appended) ---
"""Pipeline reference for scband-graph-sageconv-85753317032399 (READ-ONLY COPY).

The authoritative reference and input builder live on the scoring server;
editing this copy changes nothing except your own understanding.
"""

import jax, jax.numpy as jnp
import numpy as np

N_NODES = 10000
N_EDGES = 160000
D_FEAT = 256
D_IN = 2 * D_FEAT
D_OUT = 256


def setup_inputs(seed: int = 0) -> dict:
    key = jax.random.key(seed)
    k1, k2, k3, k4 = jax.random.split(key, 4)
    x = jax.random.normal(k1, (N_NODES, D_FEAT), dtype=jnp.float32)
    edge_index = jax.random.randint(k2, (2, N_EDGES), 0, N_NODES)
    # Linear layer params (torch nn.Linear init style: uniform in +/- 1/sqrt(fan_in))
    bound = 1.0 / np.sqrt(D_IN)
    W = jax.random.uniform(k3, (D_IN, D_OUT), minval=-bound, maxval=bound, dtype=jnp.float32)
    b = jax.random.uniform(k4, (D_OUT,), minval=-bound, maxval=bound, dtype=jnp.float32)
    return {"x": x, "edge_index": edge_index, "W": W, "b": b}


def reference(x, edge_index, W, b):
    row = edge_index[0]
    col = edge_index[1]
    # agg_neighbors.index_add_(0, row, x[col])  -> scatter-add
    gathered = jnp.take(x, col, axis=0)
    agg_neighbors = jnp.zeros_like(x).at[row].add(gathered)
    out = jnp.concatenate([x, agg_neighbors], axis=1)
    out = out @ W + b
    return jax.nn.relu(out)

if __name__ == "__main__":
    import jax
    _d = setup_inputs()
    print(jax.jit(kernel)(*tuple(_d.values())))

</pallas_src>

<mosaic_0001>
#map = affine_map<(d0, d1) -> (0, 0)>
#map1 = affine_map<(d0, d1) -> (0, 0, 0, 0, 0)>
#map2 = affine_map<(d0, d1) -> (0, 0, 0, 0)>
#map3 = affine_map<(d0, d1) -> (0, 0, 0)>
module attributes {stable_mosaic.version = 14 : i64} {
  func.func @sc_agg(%arg0: i32, %arg1: i32, %arg2: memref<20000x128xf32, #tpu.memory_space<hbm>>, %arg3: memref<2x16x2x40x128xi32, #tpu.memory_space<hbm>>, %arg4: memref<16x2x40x128xi32, #tpu.memory_space<hbm>>, %arg5: memref<2x10112x128xf32, #tpu.memory_space<hbm>>, %arg6: memref<40x128xi32, #tpu.memory_space<vmem>>, %arg7: memref<40x128xi32, #tpu.memory_space<vmem>>, %arg8: memref<128x128xf32, #tpu.memory_space<vmem>>, %arg9: memref<128x128xf32, #tpu.memory_space<vmem>>, %arg10: memref<48x128xf32, #tpu.memory_space<vmem>>, %arg11: memref<10112x128xf32, #tpu.memory_space<vmem_shared>>, %arg12: memref<!tpu.dma_semaphore, #tpu.memory_space<semaphore_mem>>, %arg13: memref<!tpu.dma_semaphore, #tpu.memory_space<semaphore_mem>>) attributes {dimension_semantics = [#tpu.dimension_semantics<core_parallel>, #tpu.dimension_semantics<subcore_parallel>], iteration_bounds = array<i64: 2, 16>, scalar_prefetch = 0 : i64, scratch_operands = 8 : i64, tpu.core_type = #tpu.core_type<sc_vector_subcore>, window_params = [{transform_indices = #map}, {transform_indices = #map1}, {transform_indices = #map2}, {transform_indices = #map3}]} {
    %run_scoped3A = arith.constant 0 : i32
    "tpu.region"() ({
      %run_scoped3A_138 = tpu.sem_alloc : memref<!tpu.dma_semaphore, #tpu.memory_space<semaphore_mem>>
      %dma_start3A_139 = arith.constant 0 : i32
      %dma_start3A_140 = arith.constant 0 : i32
      %dma_start3A_141 = tpu.memref_slice %arg3[%arg0, %arg1, %run_scoped3A, %dma_start3A_139, %dma_start3A_140] : memref<2x16x2x40x128xi32, #tpu.memory_space<hbm>> -> memref<1x1x1x40x128xi32, #tpu.memory_space<hbm>>
      %dma_start3A_142 = tpu.memref_squeeze %dma_start3A_141 : memref<1x1x1x40x128xi32, #tpu.memory_space<hbm>> -> memref<40x128xi32, #tpu.memory_space<hbm>>
      %dma_start3A_143 = arith.constant 0 : i32
      %dma_start3A_144 = arith.constant 0 : i32
      %dma_start3A_145 = tpu.memref_slice %arg3[%arg0, %arg1, %run_scoped3A, %dma_start3A_143, %dma_start3A_144] : memref<2x16x2x40x128xi32, #tpu.memory_space<hbm>> -> memref<1x1x1x40x128xi32, #tpu.memory_space<hbm>>
      %dma_start3A_146 = tpu.memref_squeeze %dma_start3A_145 : memref<1x1x1x40x128xi32, #tpu.memory_space<hbm>> -> memref<40x128xi32, #tpu.memory_space<hbm>>
      tpu.enqueue_dma source(%dma_start3A_146 : memref<40x128xi32, #tpu.memory_space<hbm>>) target(%arg6 : memref<40x128xi32, #tpu.memory_space<vmem>>) target_semaphore(%run_scoped3A_138 : memref<!tpu.dma_semaphore, #tpu.memory_space<semaphore_mem>>)
      %dma_wait3A_147 = arith.constant 0 : i32
      %dma_wait3A_148 = arith.constant 0 : i32
      %dma_wait3A_149 = tpu.memref_slice %arg3[%arg0, %arg1, %run_scoped3A, %dma_wait3A_147, %dma_wait3A_148] : memref<2x16x2x40x128xi32, #tpu.memory_space<hbm>> -> memref<1x1x1x40x128xi32, #tpu.memory_space<hbm>>
      %dma_wait3A_150 = tpu.memref_squeeze %dma_wait3A_149 : memref<1x1x1x40x128xi32, #tpu.memory_space<hbm>> -> memref<40x128xi32, #tpu.memory_space<hbm>>
      %dma_wait3A_151 = arith.constant 0 : i32
      %dma_wait3A_152 = arith.constant 0 : i32
      %dma_wait3A_153 = tpu.memref_slice %arg3[%arg0, %arg1, %run_scoped3A, %dma_wait3A_151, %dma_wait3A_152] : memref<2x16x2x40x128xi32, #tpu.memory_space<hbm>> -> memref<1x1x1x40x128xi32, #tpu.memory_space<hbm>>
      %dma_wait3A_154 = tpu.memref_squeeze %dma_wait3A_153 : memref<1x1x1x40x128xi32, #tpu.memory_space<hbm>> -> memref<40x128xi32, #tpu.memory_space<hbm>>
      tpu.wait_dma2 semaphore(%run_scoped3A_138 : memref<!tpu.dma_semaphore, #tpu.memory_space<semaphore_mem>>) src(%dma_wait3A_154 : memref<40x128xi32, #tpu.memory_space<hbm>>) dst(%arg6 : memref<40x128xi32, #tpu.memory_space<vmem>>)
      tpu.yield
    }) : () -> ()
    %run_scoped3A_0 = arith.constant 0 : i32
    "tpu.region"() ({
      %run_scoped3A_138 = tpu.sem_alloc : memref<!tpu.dma_semaphore, #tpu.memory_space<semaphore_mem>>
      %dma_start3A_139 = arith.constant 0 : i32
      %dma_start3A_140 = arith.constant 0 : i32
      %dma_start3A_141 = tpu.memref_slice %arg4[%arg1, %run_scoped3A_0, %dma_start3A_139, %dma_start3A_140] : memref<16x2x40x128xi32, #tpu.memory_space<hbm>> -> memref<1x1x40x128xi32, #tpu.memory_space<hbm>>
      %dma_start3A_142 = tpu.memref_squeeze %dma_start3A_141 : memref<1x1x40x128xi32, #tpu.memory_space<hbm>> -> memref<40x128xi32, #tpu.memory_space<hbm>>
      %dma_start3A_143 = arith.constant 0 : i32
      %dma_start3A_144 = arith.constant 0 : i32
      %dma_start3A_145 = tpu.memref_slice %arg4[%arg1, %run_scoped3A_0, %dma_start3A_143, %dma_start3A_144] : memref<16x2x40x128xi32, #tpu.memory_space<hbm>> -> memref<1x1x40x128xi32, #tpu.memory_space<hbm>>
      %dma_start3A_146 = tpu.memref_squeeze %dma_start3A_145 : memref<1x1x40x128xi32, #tpu.memory_space<hbm>> -> memref<40x128xi32, #tpu.memory_space<hbm>>
      tpu.enqueue_dma source(%dma_start3A_146 : memref<40x128xi32, #tpu.memory_space<hbm>>) target(%arg7 : memref<40x128xi32, #tpu.memory_space<vmem>>) target_semaphore(%run_scoped3A_138 : memref<!tpu.dma_semaphore, #tpu.memory_space<semaphore_mem>>)
      %dma_wait3A_147 = arith.constant 0 : i32
      %dma_wait3A_148 = arith.constant 0 : i32
      %dma_wait3A_149 = tpu.memref_slice %arg4[%arg1, %run_scoped3A_0, %dma_wait3A_147, %dma_wait3A_148] : memref<16x2x40x128xi32, #tpu.memory_space<hbm>> -> memref<1x1x40x128xi32, #tpu.memory_space<hbm>>
      %dma_wait3A_150 = tpu.memref_squeeze %dma_wait3A_149 : memref<1x1x40x128xi32, #tpu.memory_space<hbm>> -> memref<40x128xi32, #tpu.memory_space<hbm>>
      %dma_wait3A_151 = arith.constant 0 : i32
      %dma_wait3A_152 = arith.constant 0 : i32
      %dma_wait3A_153 = tpu.memref_slice %arg4[%arg1, %run_scoped3A_0, %dma_wait3A_151, %dma_wait3A_152] : memref<16x2x40x128xi32, #tpu.memory_space<hbm>> -> memref<1x1x40x128xi32, #tpu.memory_space<hbm>>
      %dma_wait3A_154 = tpu.memref_squeeze %dma_wait3A_153 : memref<1x1x40x128xi32, #tpu.memory_space<hbm>> -> memref<40x128xi32, #tpu.memory_space<hbm>>
      tpu.wait_dma2 semaphore(%run_scoped3A_138 : memref<!tpu.dma_semaphore, #tpu.memory_space<semaphore_mem>>) src(%dma_wait3A_154 : memref<40x128xi32, #tpu.memory_space<hbm>>) dst(%arg7 : memref<40x128xi32, #tpu.memory_space<vmem>>)
      tpu.yield
    }) : () -> ()
    %dma_start3A = arith.constant 0 : i32
    %dma_start3A_1 = arith.constant 0 : i32
    %dma_start3A_2 = tpu.memref_slice %arg6[%dma_start3A, %dma_start3A_1] : memref<40x128xi32, #tpu.memory_space<vmem>> -> memref<1x128xi32, #tpu.memory_space<vmem>>
    %dma_start3A_3 = tpu.memref_squeeze %dma_start3A_2 : memref<1x128xi32, #tpu.memory_space<vmem>> -> memref<128xi32, #tpu.memory_space<vmem>>
    %dma_start3A_4 = arith.constant 0 : i32
    %dma_start3A_5 = arith.constant 0 : i32
    %dma_start3A_6 = tpu.memref_slice %arg2[%dma_start3A_4, %dma_start3A_5] : memref<20000x128xf32, #tpu.memory_space<hbm>> -> memref<20000x128xf32, #tpu.memory_space<hbm>>
    tpu.enqueue_indirect_dma source(%dma_start3A_6 : memref<20000x128xf32, #tpu.memory_space<hbm>>) target(%arg8 : memref<128x128xf32, #tpu.memory_space<vmem>>) offsets(%dma_start3A_3 : memref<128xi32, #tpu.memory_space<vmem>>) semaphore(%arg12 : memref<!tpu.dma_semaphore, #tpu.memory_space<semaphore_mem>>)
    %dma_start3A_7 = arith.constant 1 : i32
    %dma_start3A_8 = arith.constant 0 : i32
    %dma_start3A_9 = tpu.memref_slice %arg6[%dma_start3A_7, %dma_start3A_8] : memref<40x128xi32, #tpu.memory_space<vmem>> -> memref<1x128xi32, #tpu.memory_space<vmem>>
    %dma_start3A_10 = tpu.memref_squeeze %dma_start3A_9 : memref<1x128xi32, #tpu.memory_space<vmem>> -> memref<128xi32, #tpu.memory_space<vmem>>
    %dma_start3A_11 = arith.constant 0 : i32
    %dma_start3A_12 = arith.constant 0 : i32
    %dma_start3A_13 = tpu.memref_slice %arg2[%dma_start3A_11, %dma_start3A_12] : memref<20000x128xf32, #tpu.memory_space<hbm>> -> memref<20000x128xf32, #tpu.memory_space<hbm>>
    tpu.enqueue_indirect_dma source(%dma_start3A_13 : memref<20000x128xf32, #tpu.memory_space<hbm>>) target(%arg9 : memref<128x128xf32, #tpu.memory_space<vmem>>) offsets(%dma_start3A_10 : memref<128xi32, #tpu.memory_space<vmem>>) semaphore(%arg13 : memref<!tpu.dma_semaphore, #tpu.memory_space<semaphore_mem>>)
    %broadcast_in_dim3A = arith.constant 0.000000e+00 : f32
    %broadcast_in_dim3A_14 = vector.broadcast %broadcast_in_dim3A : f32 to vector<16xf32>
    %scan3A = arith.constant 0 : i32
    %scan3A_15 = arith.constant 0 : i32
    %scan3A_16 = arith.constant 48 : i32
    %scan3A_17 = arith.addi %scan3A_15, %scan3A_16 : i32
    %scan3A_18 = arith.constant 1 : i32
    scf.for %scan3A_138 = %scan3A_15 to %scan3A_17 step %scan3A_18  : i32 {
      %swap3A = arith.index_cast %scan3A_138 : i32 to index
      %swap3A_139 = arith.constant 0 : index
      %swap3A_140 = tpu.vector_load %arg10[%swap3A, %swap3A_139] {strides = array<i32>} : memref<48x128xf32, #tpu.memory_space<vmem>>, vector<1x16xf32>,
      %swap3A_141 = vector.shape_cast %swap3A_140 : vector<1x16xf32> to vector<16xf32>
      %swap3A_142 = vector.shape_cast %broadcast_in_dim3A_14 : vector<16xf32> to vector<1x16xf32>
      tpu.vector_store %arg10[%swap3A, %swap3A_139], %swap3A_142 {strides = array<i32>} : memref<48x128xf32, #tpu.memory_space<vmem>>, vector<1x16xf32>,
      %swap3A_143 = arith.index_cast %scan3A_138 : i32 to index
      %swap3A_144 = arith.constant 16 : index
      %swap3A_145 = tpu.vector_load %arg10[%swap3A_143, %swap3A_144] {strides = array<i32>} : memref<48x128xf32, #tpu.memory_space<vmem>>, vector<1x16xf32>,
      %swap3A_146 = vector.shape_cast %swap3A_145 : vector<1x16xf32> to vector<16xf32>
      %swap3A_147 = vector.shape_cast %broadcast_in_dim3A_14 : vector<16xf32> to vector<1x16xf32>
      tpu.vector_store %arg10[%swap3A_143, %swap3A_144], %swap3A_147 {strides = array<i32>} : memref<48x128xf32, #tpu.memory_space<vmem>>, vector<1x16xf32>,
      %swap3A_148 = arith.index_cast %scan3A_138 : i32 to index
      %swap3A_149 = arith.constant 32 : index
      %swap3A_150 = tpu.vector_load %arg10[%swap3A_148, %swap3A_149] {strides = array<i32>} : memref<48x128xf32, #tpu.memory_space<vmem>>, vector<1x16xf32>,
      %swap3A_151 = vector.shape_cast %swap3A_150 : vector<1x16xf32> to vector<16xf32>
      %swap3A_152 = vector.shape_cast %broadcast_in_dim3A_14 : vector<16xf32> to vector<1x16xf32>
      tpu.vector_store %arg10[%swap3A_148, %swap3A_149], %swap3A_152 {strides = array<i32>} : memref<48x128xf32, #tpu.memory_space<vmem>>, vector<1x16xf32>,
      %swap3A_153 = arith.index_cast %scan3A_138 : i32 to index
      %swap3A_154 = arith.constant 48 : index
      %swap3A_155 = tpu.vector_load %arg10[%swap3A_153, %swap3A_154] {strides = array<i32>} : memref<48x128xf32, #tpu.memory_space<vmem>>, vector<1x16xf32>,
      %swap3A_156 = vector.shape_cast %swap3A_155 : vector<1x16xf32> to vector<16xf32>
      %swap3A_157 = vector.shape_cast %broadcast_in_dim3A_14 : vector<16xf32> to vector<1x16xf32>
      tpu.vector_store %arg10[%swap3A_153, %swap3A_154], %swap3A_157 {strides = array<i32>} : memref<48x128xf32, #tpu.memory_space<vmem>>, vector<1x16xf32>,
      %swap3A_158 = arith.index_cast %scan3A_138 : i32 to index
      %swap3A_159 = arith.constant 64 : index
      %swap3A_160 = tpu.vector_load %arg10[%swap3A_158, %swap3A_159] {strides = array<i32>} : memref<48x128xf32, #tpu.memory_space<vmem>>, vector<1x16xf32>,
      %swap3A_161 = vector.shape_cast %swap3A_160 : vector<1x16xf32> to vector<16xf32>
      %swap3A_162 = vector.shape_cast %broadcast_in_dim3A_14 : vector<16xf32> to vector<1x16xf32>
      tpu.vector_store %arg10[%swap3A_158, %swap3A_159], %swap3A_162 {strides = array<i32>} : memref<48x128xf32, #tpu.memory_space<vmem>>, vector<1x16xf32>,
      %swap3A_163 = arith.index_cast %scan3A_138 : i32 to index
      %swap3A_164 = arith.constant 80 : index
      %swap3A_165 = tpu.vector_load %arg10[%swap3A_163, %swap3A_164] {strides = array<i32>} : memref<48x128xf32, #tpu.memory_space<vmem>>, vector<1x16xf32>,
      %swap3A_166 = vector.shape_cast %swap3A_165 : vector<1x16xf32> to vector<16xf32>
      %swap3A_167 = vector.shape_cast %broadcast_in_dim3A_14 : vector<16xf32> to vector<1x16xf32>
      tpu.vector_store %arg10[%swap3A_163, %swap3A_164], %swap3A_167 {strides = array<i32>} : memref<48x128xf32, #tpu.memory_space<vmem>>, vector<1x16xf32>,
      %swap3A_168 = arith.index_cast %scan3A_138 : i32 to index
      %swap3A_169 = arith.constant 96 : index
      %swap3A_170 = tpu.vector_load %arg10[%swap3A_168, %swap3A_169] {strides = array<i32>} : memref<48x128xf32, #tpu.memory_space<vmem>>, vector<1x16xf32>,
      %swap3A_171 = vector.shape_cast %swap3A_170 : vector<1x16xf32> to vector<16xf32>
      %swap3A_172 = vector.shape_cast %broadcast_in_dim3A_14 : vector<16xf32> to vector<1x16xf32>
      tpu.vector_store %arg10[%swap3A_168, %swap3A_169], %swap3A_172 {strides = array<i32>} : memref<48x128xf32, #tpu.memory_space<vmem>>, vector<1x16xf32>,
      %swap3A_173 = arith.index_cast %scan3A_138 : i32 to index
      %swap3A_174 = arith.constant 112 : index
      %swap3A_175 = tpu.vector_load %arg10[%swap3A_173, %swap3A_174] {strides = array<i32>} : memref<48x128xf32, #tpu.memory_space<vmem>>, vector<1x16xf32>,
      %swap3A_176 = vector.shape_cast %swap3A_175 : vector<1x16xf32> to vector<16xf32>
      %swap3A_177 = vector.shape_cast %broadcast_in_dim3A_14 : vector<16xf32> to vector<1x16xf32>
      tpu.vector_store %arg10[%swap3A_173, %swap3A_174], %swap3A_177 {strides = array<i32>} : memref<48x128xf32, #tpu.memory_space<vmem>>, vector<1x16xf32>,
    }
    %scan3A_19 = arith.constant 48 : i32
    %mul3A = arith.constant 632 : i32
    %mul3A_20 = arith.muli %arg1, %mul3A : i32
    %add3A = arith.constant 0 : i32
    %add3A_21 = arith.addi %mul3A_20, %add3A : i32
    "tpu.region"() ({
      %run_scoped3A_138 = tpu.sem_alloc : memref<!tpu.dma_semaphore, #tpu.memory_space<semaphore_mem>>
      %dma_start3A_139 = arith.constant 0 : i32
      %dma_start3A_140 = tpu.memref_slice %arg11[%add3A_21, %dma_start3A_139] : memref<10112x128xf32, #tpu.memory_space<vmem_shared>> -> memref<48x128xf32, #tpu.memory_space<vmem_shared>>
      %dma_start3A_141 = arith.constant 0 : i32
      %dma_start3A_142 = tpu.memref_slice %arg11[%add3A_21, %dma_start3A_141] : memref<10112x128xf32, #tpu.memory_space<vmem_shared>> -> memref<48x128xf32, #tpu.memory_space<vmem_shared>>
      tpu.enqueue_dma source(%arg10 : memref<48x128xf32, #tpu.memory_space<vmem>>) target(%dma_start3A_142 : memref<48x128xf32, #tpu.memory_space<vmem_shared>>) target_semaphore(%run_scoped3A_138 : memref<!tpu.dma_semaphore, #tpu.memory_space<semaphore_mem>>)
      %dma_wait3A_143 = arith.constant 0 : i32
      %dma_wait3A_144 = tpu.memref_slice %arg11[%add3A_21, %dma_wait3A_143] : memref<10112x128xf32, #tpu.memory_space<vmem_shared>> -> memref<48x128xf32, #tpu.memory_space<vmem_shared>>
      %dma_wait3A_145 = arith.constant 0 : i32
      %dma_wait3A_146 = tpu.memref_slice %arg11[%add3A_21, %dma_wait3A_145] : memref<10112x128xf32, #tpu.memory_space<vmem_shared>> -> memref<48x128xf32, #tpu.memory_space<vmem_shared>>
      tpu.wait_dma2 semaphore(%run_scoped3A_138 : memref<!tpu.dma_semaphore, #tpu.memory_space<semaphore_mem>>) src(%arg10 : memref<48x128xf32, #tpu.memory_space<vmem>>) dst(%dma_wait3A_146 : memref<48x128xf32, #tpu.memory_space<vmem_shared>>)
      tpu.yield
    }) : () -> ()
    %mul3A_22 = arith.constant 632 : i32
    %mul3A_23 = arith.muli %arg1, %mul3A_22 : i32
    %add3A_24 = arith.constant 48 : i32
    %add3A_25 = arith.addi %mul3A_23, %add3A_24 : i32
    "tpu.region"() ({
      %run_scoped3A_138 = tpu.sem_alloc : memref<!tpu.dma_semaphore, #tpu.memory_space<semaphore_mem>>
      %dma_start3A_139 = arith.constant 0 : i32
      %dma_start3A_140 = tpu.memref_slice %arg11[%add3A_25, %dma_start3A_139] : memref<10112x128xf32, #tpu.memory_space<vmem_shared>> -> memref<48x128xf32, #tpu.memory_space<vmem_shared>>
      %dma_start3A_141 = arith.constant 0 : i32
      %dma_start3A_142 = tpu.memref_slice %arg11[%add3A_25, %dma_start3A_141] : memref<10112x128xf32, #tpu.memory_space<vmem_shared>> -> memref<48x128xf32, #tpu.memory_space<vmem_shared>>
      tpu.enqueue_dma source(%arg10 : memref<48x128xf32, #tpu.memory_space<vmem>>) target(%dma_start3A_142 : memref<48x128xf32, #tpu.memory_space<vmem_shared>>) target_semaphore(%run_scoped3A_138 : memref<!tpu.dma_semaphore, #tpu.memory_space<semaphore_mem>>)
      %dma_wait3A_143 = arith.constant 0 : i32
      %dma_wait3A_144 = tpu.memref_slice %arg11[%add3A_25, %dma_wait3A_143] : memref<10112x128xf32, #tpu.memory_space<vmem_shared>> -> memref<48x128xf32, #tpu.memory_space<vmem_shared>>
      %dma_wait3A_145 = arith.constant 0 : i32
      %dma_wait3A_146 = tpu.memref_slice %arg11[%add3A_25, %dma_wait3A_145] : memref<10112x128xf32, #tpu.memory_space<vmem_shared>> -> memref<48x128xf32, #tpu.memory_space<vmem_shared>>
      tpu.wait_dma2 semaphore(%run_scoped3A_138 : memref<!tpu.dma_semaphore, #tpu.memory_space<semaphore_mem>>) src(%arg10 : memref<48x128xf32, #tpu.memory_space<vmem>>) dst(%dma_wait3A_146 : memref<48x128xf32, #tpu.memory_space<vmem_shared>>)
      tpu.yield
    }) : () -> ()
    %mul3A_26 = arith.constant 632 : i32
    %mul3A_27 = arith.muli %arg1, %mul3A_26 : i32
    %add3A_28 = arith.constant 96 : i32
    %add3A_29 = arith.addi %mul3A_27, %add3A_28 : i32
    "tpu.region"() ({
      %run_scoped3A_138 = tpu.sem_alloc : memref<!tpu.dma_semaphore, #tpu.memory_space<semaphore_mem>>
      %dma_start3A_139 = arith.constant 0 : i32
      %dma_start3A_140 = tpu.memref_slice %arg11[%add3A_29, %dma_start3A_139] : memref<10112x128xf32, #tpu.memory_space<vmem_shared>> -> memref<48x128xf32, #tpu.memory_space<vmem_shared>>
      %dma_start3A_141 = arith.constant 0 : i32
      %dma_start3A_142 = tpu.memref_slice %arg11[%add3A_29, %dma_start3A_141] : memref<10112x128xf32, #tpu.memory_space<vmem_shared>> -> memref<48x128xf32, #tpu.memory_space<vmem_shared>>
      tpu.enqueue_dma source(%arg10 : memref<48x128xf32, #tpu.memory_space<vmem>>) target(%dma_start3A_142 : memref<48x128xf32, #tpu.memory_space<vmem_shared>>) target_semaphore(%run_scoped3A_138 : memref<!tpu.dma_semaphore, #tpu.memory_space<semaphore_mem>>)
      %dma_wait3A_143 = arith.constant 0 : i32
      %dma_wait3A_144 = tpu.memref_slice %arg11[%add3A_29, %dma_wait3A_143] : memref<10112x128xf32, #tpu.memory_space<vmem_shared>> -> memref<48x128xf32, #tpu.memory_space<vmem_shared>>
      %dma_wait3A_145 = arith.constant 0 : i32
      %dma_wait3A_146 = tpu.memref_slice %arg11[%add3A_29, %dma_wait3A_145] : memref<10112x128xf32, #tpu.memory_space<vmem_shared>> -> memref<48x128xf32, #tpu.memory_space<vmem_shared>>
      tpu.wait_dma2 semaphore(%run_scoped3A_138 : memref<!tpu.dma_semaphore, #tpu.memory_space<semaphore_mem>>) src(%arg10 : memref<48x128xf32, #tpu.memory_space<vmem>>) dst(%dma_wait3A_146 : memref<48x128xf32, #tpu.memory_space<vmem_shared>>)
      tpu.yield
    }) : () -> ()
    %mul3A_30 = arith.constant 632 : i32
    %mul3A_31 = arith.muli %arg1, %mul3A_30 : i32
    %add3A_32 = arith.constant 144 : i32
    %add3A_33 = arith.addi %mul3A_31, %add3A_32 : i32
    "tpu.region"() ({
      %run_scoped3A_138 = tpu.sem_alloc : memref<!tpu.dma_semaphore, #tpu.memory_space<semaphore_mem>>
      %dma_start3A_139 = arith.constant 0 : i32
      %dma_start3A_140 = tpu.memref_slice %arg11[%add3A_33, %dma_start3A_139] : memref<10112x128xf32, #tpu.memory_space<vmem_shared>> -> memref<48x128xf32, #tpu.memory_space<vmem_shared>>
      %dma_start3A_141 = arith.constant 0 : i32
      %dma_start3A_142 = tpu.memref_slice %arg11[%add3A_33, %dma_start3A_141] : memref<10112x128xf32, #tpu.memory_space<vmem_shared>> -> memref<48x128xf32, #tpu.memory_space<vmem_shared>>
      tpu.enqueue_dma source(%arg10 : memref<48x128xf32, #tpu.memory_space<vmem>>) target(%dma_start3A_142 : memref<48x128xf32, #tpu.memory_space<vmem_shared>>) target_semaphore(%run_scoped3A_138 : memref<!tpu.dma_semaphore, #tpu.memory_space<semaphore_mem>>)
      %dma_wait3A_143 = arith.constant 0 : i32
      %dma_wait3A_144 = tpu.memref_slice %arg11[%add3A_33, %dma_wait3A_143] : memref<10112x128xf32, #tpu.memory_space<vmem_shared>> -> memref<48x128xf32, #tpu.memory_space<vmem_shared>>
      %dma_wait3A_145 = arith.constant 0 : i32
      %dma_wait3A_146 = tpu.memref_slice %arg11[%add3A_33, %dma_wait3A_145] : memref<10112x128xf32, #tpu.memory_space<vmem_shared>> -> memref<48x128xf32, #tpu.memory_space<vmem_shared>>
      tpu.wait_dma2 semaphore(%run_scoped3A_138 : memref<!tpu.dma_semaphore, #tpu.memory_space<semaphore_mem>>) src(%arg10 : memref<48x128xf32, #tpu.memory_space<vmem>>) dst(%dma_wait3A_146 : memref<48x128xf32, #tpu.memory_space<vmem_shared>>)
      tpu.yield
    }) : () -> ()
    %mul3A_34 = arith.constant 632 : i32
    %mul3A_35 = arith.muli %arg1, %mul3A_34 : i32
    %add3A_36 = arith.constant 192 : i32
    %add3A_37 = arith.addi %mul3A_35, %add3A_36 : i32
    "tpu.region"() ({
      %run_scoped3A_138 = tpu.sem_alloc : memref<!tpu.dma_semaphore, #tpu.memory_space<semaphore_mem>>
      %dma_start3A_139 = arith.constant 0 : i32
      %dma_start3A_140 = tpu.memref_slice %arg11[%add3A_37, %dma_start3A_139] : memref<10112x128xf32, #tpu.memory_space<vmem_shared>> -> memref<48x128xf32, #tpu.memory_space<vmem_shared>>
      %dma_start3A_141 = arith.constant 0 : i32
      %dma_start3A_142 = tpu.memref_slice %arg11[%add3A_37, %dma_start3A_141] : memref<10112x128xf32, #tpu.memory_space<vmem_shared>> -> memref<48x128xf32, #tpu.memory_space<vmem_shared>>
      tpu.enqueue_dma source(%arg10 : memref<48x128xf32, #tpu.memory_space<vmem>>) target(%dma_start3A_142 : memref<48x128xf32, #tpu.memory_space<vmem_shared>>) target_semaphore(%run_scoped3A_138 : memref<!tpu.dma_semaphore, #tpu.memory_space<semaphore_mem>>)
      %dma_wait3A_143 = arith.constant 0 : i32
      %dma_wait3A_144 = tpu.memref_slice %arg11[%add3A_37, %dma_wait3A_143] : memref<10112x128xf32, #tpu.memory_space<vmem_shared>> -> memref<48x128xf32, #tpu.memory_space<vmem_shared>>
      %dma_wait3A_145 = arith.constant 0 : i32
      %dma_wait3A_146 = tpu.memref_slice %arg11[%add3A_37, %dma_wait3A_145] : memref<10112x128xf32, #tpu.memory_space<vmem_shared>> -> memref<48x128xf32, #tpu.memory_space<vmem_shared>>
      tpu.wait_dma2 semaphore(%run_scoped3A_138 : memref<!tpu.dma_semaphore, #tpu.memory_space<semaphore_mem>>) src(%arg10 : memref<48x128xf32, #tpu.memory_space<vmem>>) dst(%dma_wait3A_146 : memref<48x128xf32, #tpu.memory_space<vmem_shared>>)
      tpu.yield
    }) : () -> ()
    %mul3A_38 = arith.constant 632 : i32
    %mul3A_39 = arith.muli %arg1, %mul3A_38 : i32
    %add3A_40 = arith.constant 240 : i32
    %add3A_41 = arith.addi %mul3A_39, %add3A_40 : i32
    "tpu.region"() ({
      %run_scoped3A_138 = tpu.sem_alloc : memref<!tpu.dma_semaphore, #tpu.memory_space<semaphore_mem>>
      %dma_start3A_139 = arith.constant 0 : i32
      %dma_start3A_140 = tpu.memref_slice %arg11[%add3A_41, %dma_start3A_139] : memref<10112x128xf32, #tpu.memory_space<vmem_shared>> -> memref<48x128xf32, #tpu.memory_space<vmem_shared>>
      %dma_start3A_141 = arith.constant 0 : i32
      %dma_start3A_142 = tpu.memref_slice %arg11[%add3A_41, %dma_start3A_141] : memref<10112x128xf32, #tpu.memory_space<vmem_shared>> -> memref<48x128xf32, #tpu.memory_space<vmem_shared>>
      tpu.enqueue_dma source(%arg10 : memref<48x128xf32, #tpu.memory_space<vmem>>) target(%dma_start3A_142 : memref<48x128xf32, #tpu.memory_space<vmem_shared>>) target_semaphore(%run_scoped3A_138 : memref<!tpu.dma_semaphore, #tpu.memory_space<semaphore_mem>>)
      %dma_wait3A_143 = arith.constant 0 : i32
      %dma_wait3A_144 = tpu.memref_slice %arg11[%add3A_41, %dma_wait3A_143] : memref<10112x128xf32, #tpu.memory_space<vmem_shared>> -> memref<48x128xf32, #tpu.memory_space<vmem_shared>>
      %dma_wait3A_145 = arith.constant 0 : i32
      %dma_wait3A_146 = tpu.memref_slice %arg11[%add3A_41, %dma_wait3A_145] : memref<10112x128xf32, #tpu.memory_space<vmem_shared>> -> memref<48x128xf32, #tpu.memory_space<vmem_shared>>
      tpu.wait_dma2 semaphore(%run_scoped3A_138 : memref<!tpu.dma_semaphore, #tpu.memory_space<semaphore_mem>>) src(%arg10 : memref<48x128xf32, #tpu.memory_space<vmem>>) dst(%dma_wait3A_146 : memref<48x128xf32, #tpu.memory_space<vmem_shared>>)
      tpu.yield
    }) : () -> ()
    %mul3A_42 = arith.constant 632 : i32
    %mul3A_43 = arith.muli %arg1, %mul3A_42 : i32
    %add3A_44 = arith.constant 288 : i32
    %add3A_45 = arith.addi %mul3A_43, %add3A_44 : i32
    "tpu.region"() ({
      %run_scoped3A_138 = tpu.sem_alloc : memref<!tpu.dma_semaphore, #tpu.memory_space<semaphore_mem>>
      %dma_start3A_139 = arith.constant 0 : i32
      %dma_start3A_140 = tpu.memref_slice %arg11[%add3A_45, %dma_start3A_139] : memref<10112x128xf32, #tpu.memory_space<vmem_shared>> -> memref<48x128xf32, #tpu.memory_space<vmem_shared>>
      %dma_start3A_141 = arith.constant 0 : i32
      %dma_start3A_142 = tpu.memref_slice %arg11[%add3A_45, %dma_start3A_141] : memref<10112x128xf32, #tpu.memory_space<vmem_shared>> -> memref<48x128xf32, #tpu.memory_space<vmem_shared>>
      tpu.enqueue_dma source(%arg10 : memref<48x128xf32, #tpu.memory_space<vmem>>) target(%dma_start3A_142 : memref<48x128xf32, #tpu.memory_space<vmem_shared>>) target_semaphore(%run_scoped3A_138 : memref<!tpu.dma_semaphore, #tpu.memory_space<semaphore_mem>>)
      %dma_wait3A_143 = arith.constant 0 : i32
      %dma_wait3A_144 = tpu.memref_slice %arg11[%add3A_45, %dma_wait3A_143] : memref<10112x128xf32, #tpu.memory_space<vmem_shared>> -> memref<48x128xf32, #tpu.memory_space<vmem_shared>>
      %dma_wait3A_145 = arith.constant 0 : i32
      %dma_wait3A_146 = tpu.memref_slice %arg11[%add3A_45, %dma_wait3A_145] : memref<10112x128xf32, #tpu.memory_space<vmem_shared>> -> memref<48x128xf32, #tpu.memory_space<vmem_shared>>
      tpu.wait_dma2 semaphore(%run_scoped3A_138 : memref<!tpu.dma_semaphore, #tpu.memory_space<semaphore_mem>>) src(%arg10 : memref<48x128xf32, #tpu.memory_space<vmem>>) dst(%dma_wait3A_146 : memref<48x128xf32, #tpu.memory_space<vmem_shared>>)
      tpu.yield
    }) : () -> ()
    %mul3A_46 = arith.constant 632 : i32
    %mul3A_47 = arith.muli %arg1, %mul3A_46 : i32
    %add3A_48 = arith.constant 336 : i32
    %add3A_49 = arith.addi %mul3A_47, %add3A_48 : i32
    "tpu.region"() ({
      %run_scoped3A_138 = tpu.sem_alloc : memref<!tpu.dma_semaphore, #tpu.memory_space<semaphore_mem>>
      %dma_start3A_139 = arith.constant 0 : i32
      %dma_start3A_140 = tpu.memref_slice %arg11[%add3A_49, %dma_start3A_139] : memref<10112x128xf32, #tpu.memory_space<vmem_shared>> -> memref<48x128xf32, #tpu.memory_space<vmem_shared>>
      %dma_start3A_141 = arith.constant 0 : i32
      %dma_start3A_142 = tpu.memref_slice %arg11[%add3A_49, %dma_start3A_141] : memref<10112x128xf32, #tpu.memory_space<vmem_shared>> -> memref<48x128xf32, #tpu.memory_space<vmem_shared>>
      tpu.enqueue_dma source(%arg10 : memref<48x128xf32, #tpu.memory_space<vmem>>) target(%dma_start3A_142 : memref<48x128xf32, #tpu.memory_space<vmem_shared>>) target_semaphore(%run_scoped3A_138 : memref<!tpu.dma_semaphore, #tpu.memory_space<semaphore_mem>>)
      %dma_wait3A_143 = arith.constant 0 : i32
      %dma_wait3A_144 = tpu.memref_slice %arg11[%add3A_49, %dma_wait3A_143] : memref<10112x128xf32, #tpu.memory_space<vmem_shared>> -> memref<48x128xf32, #tpu.memory_space<vmem_shared>>
      %dma_wait3A_145 = arith.constant 0 : i32
      %dma_wait3A_146 = tpu.memref_slice %arg11[%add3A_49, %dma_wait3A_145] : memref<10112x128xf32, #tpu.memory_space<vmem_shared>> -> memref<48x128xf32, #tpu.memory_space<vmem_shared>>
      tpu.wait_dma2 semaphore(%run_scoped3A_138 : memref<!tpu.dma_semaphore, #tpu.memory_space<semaphore_mem>>) src(%arg10 : memref<48x128xf32, #tpu.memory_space<vmem>>) dst(%dma_wait3A_146 : memref<48x128xf32, #tpu.memory_space<vmem_shared>>)
      tpu.yield
    }) : () -> ()
    %mul3A_50 = arith.constant 632 : i32
    %mul3A_51 = arith.muli %arg1, %mul3A_50 : i32
    %add3A_52 = arith.constant 384 : i32
    %add3A_53 = arith.addi %mul3A_51, %add3A_52 : i32
    "tpu.region"() ({
      %run_scoped3A_138 = tpu.sem_alloc : memref<!tpu.dma_semaphore, #tpu.memory_space<semaphore_mem>>
      %dma_start3A_139 = arith.constant 0 : i32
      %dma_start3A_140 = tpu.memref_slice %arg11[%add3A_53, %dma_start3A_139] : memref<10112x128xf32, #tpu.memory_space<vmem_shared>> -> memref<48x128xf32, #tpu.memory_space<vmem_shared>>
      %dma_start3A_141 = arith.constant 0 : i32
      %dma_start3A_142 = tpu.memref_slice %arg11[%add3A_53, %dma_start3A_141] : memref<10112x128xf32, #tpu.memory_space<vmem_shared>> -> memref<48x128xf32, #tpu.memory_space<vmem_shared>>
      tpu.enqueue_dma source(%arg10 : memref<48x128xf32, #tpu.memory_space<vmem>>) target(%dma_start3A_142 : memref<48x128xf32, #tpu.memory_space<vmem_shared>>) target_semaphore(%run_scoped3A_138 : memref<!tpu.dma_semaphore, #tpu.memory_space<semaphore_mem>>)
      %dma_wait3A_143 = arith.constant 0 : i32
      %dma_wait3A_144 = tpu.memref_slice %arg11[%add3A_53, %dma_wait3A_143] : memref<10112x128xf32, #tpu.memory_space<vmem_shared>> -> memref<48x128xf32, #tpu.memory_space<vmem_shared>>
      %dma_wait3A_145 = arith.constant 0 : i32
      %dma_wait3A_146 = tpu.memref_slice %arg11[%add3A_53, %dma_wait3A_145] : memref<10112x128xf32, #tpu.memory_space<vmem_shared>> -> memref<48x128xf32, #tpu.memory_space<vmem_shared>>
      tpu.wait_dma2 semaphore(%run_scoped3A_138 : memref<!tpu.dma_semaphore, #tpu.memory_space<semaphore_mem>>) src(%arg10 : memref<48x128xf32, #tpu.memory_space<vmem>>) dst(%dma_wait3A_146 : memref<48x128xf32, #tpu.memory_space<vmem_shared>>)
      tpu.yield
    }) : () -> ()
    %mul3A_54 = arith.constant 632 : i32
    %mul3A_55 = arith.muli %arg1, %mul3A_54 : i32
    %add3A_56 = arith.constant 432 : i32
    %add3A_57 = arith.addi %mul3A_55, %add3A_56 : i32
    "tpu.region"() ({
      %run_scoped3A_138 = tpu.sem_alloc : memref<!tpu.dma_semaphore, #tpu.memory_space<semaphore_mem>>
      %dma_start3A_139 = arith.constant 0 : i32
      %dma_start3A_140 = tpu.memref_slice %arg11[%add3A_57, %dma_start3A_139] : memref<10112x128xf32, #tpu.memory_space<vmem_shared>> -> memref<48x128xf32, #tpu.memory_space<vmem_shared>>
      %dma_start3A_141 = arith.constant 0 : i32
      %dma_start3A_142 = tpu.memref_slice %arg11[%add3A_57, %dma_start3A_141] : memref<10112x128xf32, #tpu.memory_space<vmem_shared>> -> memref<48x128xf32, #tpu.memory_space<vmem_shared>>
      tpu.enqueue_dma source(%arg10 : memref<48x128xf32, #tpu.memory_space<vmem>>) target(%dma_start3A_142 : memref<48x128xf32, #tpu.memory_space<vmem_shared>>) target_semaphore(%run_scoped3A_138 : memref<!tpu.dma_semaphore, #tpu.memory_space<semaphore_mem>>)
      %dma_wait3A_143 = arith.constant 0 : i32
      %dma_wait3A_144 = tpu.memref_slice %arg11[%add3A_57, %dma_wait3A_143] : memref<10112x128xf32, #tpu.memory_space<vmem_shared>> -> memref<48x128xf32, #tpu.memory_space<vmem_shared>>
      %dma_wait3A_145 = arith.constant 0 : i32
      %dma_wait3A_146 = tpu.memref_slice %arg11[%add3A_57, %dma_wait3A_145] : memref<10112x128xf32, #tpu.memory_space<vmem_shared>> -> memref<48x128xf32, #tpu.memory_space<vmem_shared>>
      tpu.wait_dma2 semaphore(%run_scoped3A_138 : memref<!tpu.dma_semaphore, #tpu.memory_space<semaphore_mem>>) src(%arg10 : memref<48x128xf32, #tpu.memory_space<vmem>>) dst(%dma_wait3A_146 : memref<48x128xf32, #tpu.memory_space<vmem_shared>>)
      tpu.yield
    }) : () -> ()
    %mul3A_58 = arith.constant 632 : i32
    %mul3A_59 = arith.muli %arg1, %mul3A_58 : i32
    %add3A_60 = arith.constant 480 : i32
    %add3A_61 = arith.addi %mul3A_59, %add3A_60 : i32
    "tpu.region"() ({
      %run_scoped3A_138 = tpu.sem_alloc : memref<!tpu.dma_semaphore, #tpu.memory_space<semaphore_mem>>
      %dma_start3A_139 = arith.constant 0 : i32
      %dma_start3A_140 = tpu.memref_slice %arg11[%add3A_61, %dma_start3A_139] : memref<10112x128xf32, #tpu.memory_space<vmem_shared>> -> memref<48x128xf32, #tpu.memory_space<vmem_shared>>
      %dma_start3A_141 = arith.constant 0 : i32
      %dma_start3A_142 = tpu.memref_slice %arg11[%add3A_61, %dma_start3A_141] : memref<10112x128xf32, #tpu.memory_space<vmem_shared>> -> memref<48x128xf32, #tpu.memory_space<vmem_shared>>
      tpu.enqueue_dma source(%arg10 : memref<48x128xf32, #tpu.memory_space<vmem>>) target(%dma_start3A_142 : memref<48x128xf32, #tpu.memory_space<vmem_shared>>) target_semaphore(%run_scoped3A_138 : memref<!tpu.dma_semaphore, #tpu.memory_space<semaphore_mem>>)
      %dma_wait3A_143 = arith.constant 0 : i32
      %dma_wait3A_144 = tpu.memref_slice %arg11[%add3A_61, %dma_wait3A_143] : memref<10112x128xf32, #tpu.memory_space<vmem_shared>> -> memref<48x128xf32, #tpu.memory_space<vmem_shared>>
      %dma_wait3A_145 = arith.constant 0 : i32
      %dma_wait3A_146 = tpu.memref_slice %arg11[%add3A_61, %dma_wait3A_145] : memref<10112x128xf32, #tpu.memory_space<vmem_shared>> -> memref<48x128xf32, #tpu.memory_space<vmem_shared>>
      tpu.wait_dma2 semaphore(%run_scoped3A_138 : memref<!tpu.dma_semaphore, #tpu.memory_space<semaphore_mem>>) src(%arg10 : memref<48x128xf32, #tpu.memory_space<vmem>>) dst(%dma_wait3A_146 : memref<48x128xf32, #tpu.memory_space<vmem_shared>>)
      tpu.yield
    }) : () -> ()
    %mul3A_62 = arith.constant 632 : i32
    %mul3A_63 = arith.muli %arg1, %mul3A_62 : i32
    %add3A_64 = arith.constant 528 : i32
    %add3A_65 = arith.addi %mul3A_63, %add3A_64 : i32
    "tpu.region"() ({
      %run_scoped3A_138 = tpu.sem_alloc : memref<!tpu.dma_semaphore, #tpu.memory_space<semaphore_mem>>
      %dma_start3A_139 = arith.constant 0 : i32
      %dma_start3A_140 = tpu.memref_slice %arg11[%add3A_65, %dma_start3A_139] : memref<10112x128xf32, #tpu.memory_space<vmem_shared>> -> memref<48x128xf32, #tpu.memory_space<vmem_shared>>
      %dma_start3A_141 = arith.constant 0 : i32
      %dma_start3A_142 = tpu.memref_slice %arg11[%add3A_65, %dma_start3A_141] : memref<10112x128xf32, #tpu.memory_space<vmem_shared>> -> memref<48x128xf32, #tpu.memory_space<vmem_shared>>
      tpu.enqueue_dma source(%arg10 : memref<48x128xf32, #tpu.memory_space<vmem>>) target(%dma_start3A_142 : memref<48x128xf32, #tpu.memory_space<vmem_shared>>) target_semaphore(%run_scoped3A_138 : memref<!tpu.dma_semaphore, #tpu.memory_space<semaphore_mem>>)
      %dma_wait3A_143 = arith.constant 0 : i32
      %dma_wait3A_144 = tpu.memref_slice %arg11[%add3A_65, %dma_wait3A_143] : memref<10112x128xf32, #tpu.memory_space<vmem_shared>> -> memref<48x128xf32, #tpu.memory_space<vmem_shared>>
      %dma_wait3A_145 = arith.constant 0 : i32
      %dma_wait3A_146 = tpu.memref_slice %arg11[%add3A_65, %dma_wait3A_145] : memref<10112x128xf32, #tpu.memory_space<vmem_shared>> -> memref<48x128xf32, #tpu.memory_space<vmem_shared>>
      tpu.wait_dma2 semaphore(%run_scoped3A_138 : memref<!tpu.dma_semaphore, #tpu.memory_space<semaphore_mem>>) src(%arg10 : memref<48x128xf32, #tpu.memory_space<vmem>>) dst(%dma_wait3A_146 : memref<48x128xf32, #tpu.memory_space<vmem_shared>>)
      tpu.yield
    }) : () -> ()
    %mul3A_66 = arith.constant 632 : i32
    %mul3A_67 = arith.muli %arg1, %mul3A_66 : i32
    %add3A_68 = arith.constant 576 : i32
    %add3A_69 = arith.addi %mul3A_67, %add3A_68 : i32
    "tpu.region"() ({
      %run_scoped3A_138 = tpu.sem_alloc : memref<!tpu.dma_semaphore, #tpu.memory_space<semaphore_mem>>
      %dma_start3A_139 = arith.constant 0 : i32
      %dma_start3A_140 = tpu.memref_slice %arg11[%add3A_69, %dma_start3A_139] : memref<10112x128xf32, #tpu.memory_space<vmem_shared>> -> memref<48x128xf32, #tpu.memory_space<vmem_shared>>
      %dma_start3A_141 = arith.constant 0 : i32
      %dma_start3A_142 = tpu.memref_slice %arg11[%add3A_69, %dma_start3A_141] : memref<10112x128xf32, #tpu.memory_space<vmem_shared>> -> memref<48x128xf32, #tpu.memory_space<vmem_shared>>
      tpu.enqueue_dma source(%arg10 : memref<48x128xf32, #tpu.memory_space<vmem>>) target(%dma_start3A_142 : memref<48x128xf32, #tpu.memory_space<vmem_shared>>) target_semaphore(%run_scoped3A_138 : memref<!tpu.dma_semaphore, #tpu.memory_space<semaphore_mem>>)
      %dma_wait3A_143 = arith.constant 0 : i32
      %dma_wait3A_144 = tpu.memref_slice %arg11[%add3A_69, %dma_wait3A_143] : memref<10112x128xf32, #tpu.memory_space<vmem_shared>> -> memref<48x128xf32, #tpu.memory_space<vmem_shared>>
      %dma_wait3A_145 = arith.constant 0 : i32
      %dma_wait3A_146 = tpu.memref_slice %arg11[%add3A_69, %dma_wait3A_145] : memref<10112x128xf32, #tpu.memory_space<vmem_shared>> -> memref<48x128xf32, #tpu.memory_space<vmem_shared>>
      tpu.wait_dma2 semaphore(%run_scoped3A_138 : memref<!tpu.dma_semaphore, #tpu.memory_space<semaphore_mem>>) src(%arg10 : memref<48x128xf32, #tpu.memory_space<vmem>>) dst(%dma_wait3A_146 : memref<48x128xf32, #tpu.memory_space<vmem_shared>>)
      tpu.yield
    }) : () -> ()
    %mul3A_70 = arith.constant 632 : i32
    %mul3A_71 = arith.muli %arg1, %mul3A_70 : i32
    %add3A_72 = arith.constant 624 : i32
    %add3A_73 = arith.addi %mul3A_71, %add3A_72 : i32
    "tpu.region"() ({
      %run_scoped3A_138 = tpu.sem_alloc : memref<!tpu.dma_semaphore, #tpu.memory_space<semaphore_mem>>
      %dma_start3A_139 = arith.constant 0 : i32
      %dma_start3A_140 = arith.constant 0 : i32
      %dma_start3A_141 = tpu.memref_slice %arg10[%dma_start3A_139, %dma_start3A_140] : memref<48x128xf32, #tpu.memory_space<vmem>> -> memref<8x128xf32, #tpu.memory_space<vmem>>
      %dma_start3A_142 = arith.constant 0 : i32
      %dma_start3A_143 = tpu.memref_slice %arg11[%add3A_73, %dma_start3A_142] : memref<10112x128xf32, #tpu.memory_space<vmem_shared>> -> memref<8x128xf32, #tpu.memory_space<vmem_shared>>
      %dma_start3A_144 = arith.constant 0 : i32
      %dma_start3A_145 = tpu.memref_slice %arg11[%add3A_73, %dma_start3A_144] : memref<10112x128xf32, #tpu.memory_space<vmem_shared>> -> memref<8x128xf32, #tpu.memory_space<vmem_shared>>
      %dma_start3A_146 = arith.constant 0 : i32
      %dma_start3A_147 = arith.constant 0 : i32
      %dma_start3A_148 = tpu.memref_slice %arg10[%dma_start3A_146, %dma_start3A_147] : memref<48x128xf32, #tpu.memory_space<vmem>> -> memref<8x128xf32, #tpu.memory_space<vmem>>
      tpu.enqueue_dma source(%dma_start3A_148 : memref<8x128xf32, #tpu.memory_space<vmem>>) target(%dma_start3A_145 : memref<8x128xf32, #tpu.memory_space<vmem_shared>>) target_semaphore(%run_scoped3A_138 : memref<!tpu.dma_semaphore, #tpu.memory_space<semaphore_mem>>)
      %dma_wait3A_149 = arith.constant 0 : i32
      %dma_wait3A_150 = arith.constant 0 : i32
      %dma_wait3A_151 = tpu.memref_slice %arg10[%dma_wait3A_149, %dma_wait3A_150] : memref<48x128xf32, #tpu.memory_space<vmem>> -> memref<8x128xf32, #tpu.memory_space<vmem>>
      %dma_wait3A_152 = arith.constant 0 : i32
      %dma_wait3A_153 = tpu.memref_slice %arg11[%add3A_73, %dma_wait3A_152] : memref<10112x128xf32, #tpu.memory_space<vmem_shared>> -> memref<8x128xf32, #tpu.memory_space<vmem_shared>>
      %dma_wait3A_154 = arith.constant 0 : i32
      %dma_wait3A_155 = tpu.memref_slice %arg11[%add3A_73, %dma_wait3A_154] : memref<10112x128xf32, #tpu.memory_space<vmem_shared>> -> memref<8x128xf32, #tpu.memory_space<vmem_shared>>
      %dma_wait3A_156 = arith.constant 0 : i32
      %dma_wait3A_157 = arith.constant 0 : i32
      %dma_wait3A_158 = tpu.memref_slice %arg10[%dma_wait3A_156, %dma_wait3A_157] : memref<48x128xf32, #tpu.memory_space<vmem>> -> memref<8x128xf32, #tpu.memory_space<vmem>>
      tpu.wait_dma2 semaphore(%run_scoped3A_138 : memref<!tpu.dma_semaphore, #tpu.memory_space<semaphore_mem>>) src(%dma_wait3A_158 : memref<8x128xf32, #tpu.memory_space<vmem>>) dst(%dma_wait3A_155 : memref<8x128xf32, #tpu.memory_space<vmem_shared>>)
      tpu.yield
    }) : () -> ()
    %barrier3A = arith.constant 0 : index
    tpu.barrier barrier_id(%barrier3A)
    %scan3A_74 = arith.constant 0 : i32
    %scan3A_75 = arith.constant 0 : i32
    %scan3A_76 = arith.constant 19 : i32
    %scan3A_77 = arith.addi %scan3A_75, %scan3A_76 : i32
    %scan3A_78 = arith.constant 1 : i32
    scf.for %scan3A_138 = %scan3A_75 to %scan3A_77 step %scan3A_78  : i32 {
      %mul3A_139 = arith.constant 2 : i32
      %mul3A_140 = arith.muli %mul3A_139, %scan3A_138 : i32
      %dma_wait3A_141 = arith.constant 0 : i32
      %dma_wait3A_142 = tpu.memref_slice %arg6[%mul3A_140, %dma_wait3A_141] : memref<40x128xi32, #tpu.memory_space<vmem>> -> memref<1x128xi32, #tpu.memory_space<vmem>>
      %dma_wait3A_143 = tpu.memref_squeeze %dma_wait3A_142 : memref<1x128xi32, #tpu.memory_space<vmem>> -> memref<128xi32, #tpu.memory_space<vmem>>
      %dma_wait3A_144 = arith.constant 0 : i32
      %dma_wait3A_145 = arith.constant 0 : i32
      %dma_wait3A_146 = tpu.memref_slice %arg2[%dma_wait3A_144, %dma_wait3A_145] : memref<20000x128xf32, #tpu.memory_space<hbm>> -> memref<20000x128xf32, #tpu.memory_space<hbm>>
      tpu.wait_indirect_dma semaphore(%arg12 : memref<!tpu.dma_semaphore, #tpu.memory_space<semaphore_mem>>) src(%dma_wait3A_146 : memref<20000x128xf32, #tpu.memory_space<hbm>>) dst(%arg8 : memref<128x128xf32, #tpu.memory_space<vmem>>)
      "tpu.region"() ({
        %run_scoped3A_173 = tpu.sem_alloc : memref<!tpu.dma_semaphore, #tpu.memory_space<semaphore_mem>>
        %dma_start3A_174 = arith.constant 0 : i32
        %dma_start3A_175 = tpu.memref_slice %arg7[%mul3A_140, %dma_start3A_174] : memref<40x128xi32, #tpu.memory_space<vmem>> -> memref<1x128xi32, #tpu.memory_space<vmem>>
        %dma_start3A_176 = tpu.memref_squeeze %dma_start3A_175 : memref<1x128xi32, #tpu.memory_space<vmem>> -> memref<128xi32, #tpu.memory_space<vmem>>
        %dma_start3A_177 = arith.constant 0 : i32
        %dma_start3A_178 = arith.constant 0 : i32
        %dma_start3A_179 = tpu.memref_slice %arg11[%dma_start3A_177, %dma_start3A_178] : memref<10112x128xf32, #tpu.memory_space<vmem_shared>> -> memref<10112x128xf32, #tpu.memory_space<vmem_shared>>
        tpu.enqueue_indirect_dma source(%arg8 : memref<128x128xf32, #tpu.memory_space<vmem>>) target(%dma_start3A_179 : memref<10112x128xf32, #tpu.memory_space<vmem_shared>>) offsets(%dma_start3A_176 : memref<128xi32, #tpu.memory_space<vmem>>) semaphore(%run_scoped3A_173 : memref<!tpu.dma_semaphore, #tpu.memory_space<semaphore_mem>>) {add = true}
        %dma_wait3A_180 = arith.constant 0 : i32
        %dma_wait3A_181 = tpu.memref_slice %arg7[%mul3A_140, %dma_wait3A_180] : memref<40x128xi32, #tpu.memory_space<vmem>> -> memref<1x128xi32, #tpu.memory_space<vmem>>
        %dma_wait3A_182 = tpu.memref_squeeze %dma_wait3A_181 : memref<1x128xi32, #tpu.memory_space<vmem>> -> memref<128xi32, #tpu.memory_space<vmem>>
        %dma_wait3A_183 = arith.constant 0 : i32
        %dma_wait3A_184 = arith.constant 0 : i32
        %dma_wait3A_185 = tpu.memref_slice %arg11[%dma_wait3A_183, %dma_wait3A_184] : memref<10112x128xf32, #tpu.memory_space<vmem_shared>> -> memref<10112x128xf32, #tpu.memory_space<vmem_shared>>
        tpu.wait_indirect_dma semaphore(%run_scoped3A_173 : memref<!tpu.dma_semaphore, #tpu.memory_space<semaphore_mem>>) src(%arg8 : memref<128x128xf32, #tpu.memory_space<vmem>>) dst(%dma_wait3A_185 : memref<10112x128xf32, #tpu.memory_space<vmem_shared>>)
        tpu.yield
      }) : () -> ()
      %add3A_147 = arith.constant 2 : i32
      %add3A_148 = arith.addi %mul3A_140, %add3A_147 : i32
      %dma_start3A_149 = arith.constant 0 : i32
      %dma_start3A_150 = tpu.memref_slice %arg6[%add3A_148, %dma_start3A_149] : memref<40x128xi32, #tpu.memory_space<vmem>> -> memref<1x128xi32, #tpu.memory_space<vmem>>
      %dma_start3A_151 = tpu.memref_squeeze %dma_start3A_150 : memref<1x128xi32, #tpu.memory_space<vmem>> -> memref<128xi32, #tpu.memory_space<vmem>>
      %dma_start3A_152 = arith.constant 0 : i32
      %dma_start3A_153 = arith.constant 0 : i32
      %dma_start3A_154 = tpu.memref_slice %arg2[%dma_start3A_152, %dma_start3A_153] : memref<20000x128xf32, #tpu.memory_space<hbm>> -> memref<20000x128xf32, #tpu.memory_space<hbm>>
      tpu.enqueue_indirect_dma source(%dma_start3A_154 : memref<20000x128xf32, #tpu.memory_space<hbm>>) target(%arg8 : memref<128x128xf32, #tpu.memory_space<vmem>>) offsets(%dma_start3A_151 : memref<128xi32, #tpu.memory_space<vmem>>) semaphore(%arg12 : memref<!tpu.dma_semaphore, #tpu.memory_space<semaphore_mem>>)
      %add3A_155 = arith.constant 1 : i32
      %add3A_156 = arith.addi %mul3A_140, %add3A_155 : i32
      %dma_wait3A_157 = arith.constant 0 : i32
      %dma_wait3A_158 = tpu.memref_slice %arg6[%add3A_156, %dma_wait3A_157] : memref<40x128xi32, #tpu.memory_space<vmem>> -> memref<1x128xi32, #tpu.memory_space<vmem>>
      %dma_wait3A_159 = tpu.memref_squeeze %dma_wait3A_158 : memref<1x128xi32, #tpu.memory_space<vmem>> -> memref<128xi32, #tpu.memory_space<vmem>>
      %dma_wait3A_160 = arith.constant 0 : i32
      %dma_wait3A_161 = arith.constant 0 : i32
      %dma_wait3A_162 = tpu.memref_slice %arg2[%dma_wait3A_160, %dma_wait3A_161] : memref<20000x128xf32, #tpu.memory_space<hbm>> -> memref<20000x128xf32, #tpu.memory_space<hbm>>
      tpu.wait_indirect_dma semaphore(%arg13 : memref<!tpu.dma_semaphore, #tpu.memory_space<semaphore_mem>>) src(%dma_wait3A_162 : memref<20000x128xf32, #tpu.memory_space<hbm>>) dst(%arg9 : memref<128x128xf32, #tpu.memory_space<vmem>>)
      %add3A_163 = arith.constant 1 : i32
      %add3A_164 = arith.addi %mul3A_140, %add3A_163 : i32
      "tpu.region"() ({
        %run_scoped3A_173 = tpu.sem_alloc : memref<!tpu.dma_semaphore, #tpu.memory_space<semaphore_mem>>
        %dma_start3A_174 = arith.constant 0 : i32
        %dma_start3A_175 = tpu.memref_slice %arg7[%add3A_164, %dma_start3A_174] : memref<40x128xi32, #tpu.memory_space<vmem>> -> memref<1x128xi32, #tpu.memory_space<vmem>>
        %dma_start3A_176 = tpu.memref_squeeze %dma_start3A_175 : memref<1x128xi32, #tpu.memory_space<vmem>> -> memref<128xi32, #tpu.memory_space<vmem>>
        %dma_start3A_177 = arith.constant 0 : i32
        %dma_start3A_178 = arith.constant 0 : i32
        %dma_start3A_179 = tpu.memref_slice %arg11[%dma_start3A_177, %dma_start3A_178] : memref<10112x128xf32, #tpu.memory_space<vmem_shared>> -> memref<10112x128xf32, #tpu.memory_space<vmem_shared>>
        tpu.enqueue_indirect_dma source(%arg9 : memref<128x128xf32, #tpu.memory_space<vmem>>) target(%dma_start3A_179 : memref<10112x128xf32, #tpu.memory_space<vmem_shared>>) offsets(%dma_start3A_176 : memref<128xi32, #tpu.memory_space<vmem>>) semaphore(%run_scoped3A_173 : memref<!tpu.dma_semaphore, #tpu.memory_space<semaphore_mem>>) {add = true}
        %dma_wait3A_180 = arith.constant 0 : i32
        %dma_wait3A_181 = tpu.memref_slice %arg7[%add3A_164, %dma_wait3A_180] : memref<40x128xi32, #tpu.memory_space<vmem>> -> memref<1x128xi32, #tpu.memory_space<vmem>>
        %dma_wait3A_182 = tpu.memref_squeeze %dma_wait3A_181 : memref<1x128xi32, #tpu.memory_space<vmem>> -> memref<128xi32, #tpu.memory_space<vmem>>
        %dma_wait3A_183 = arith.constant 0 : i32
        %dma_wait3A_184 = arith.constant 0 : i32
        %dma_wait3A_185 = tpu.memref_slice %arg11[%dma_wait3A_183, %dma_wait3A_184] : memref<10112x128xf32, #tpu.memory_space<vmem_shared>> -> memref<10112x128xf32, #tpu.memory_space<vmem_shared>>
        tpu.wait_indirect_dma semaphore(%run_scoped3A_173 : memref<!tpu.dma_semaphore, #tpu.memory_space<semaphore_mem>>) src(%arg9 : memref<128x128xf32, #tpu.memory_space<vmem>>) dst(%dma_wait3A_185 : memref<10112x128xf32, #tpu.memory_space<vmem_shared>>)
        tpu.yield
      }) : () -> ()
      %add3A_165 = arith.constant 3 : i32
      %add3A_166 = arith.addi %mul3A_140, %add3A_165 : i32
      %dma_start3A_167 = arith.constant 0 : i32
      %dma_start3A_168 = tpu.memref_slice %arg6[%add3A_166, %dma_start3A_167] : memref<40x128xi32, #tpu.memory_space<vmem>> -> memref<1x128xi32, #tpu.memory_space<vmem>>
      %dma_start3A_169 = tpu.memref_squeeze %dma_start3A_168 : memref<1x128xi32, #tpu.memory_space<vmem>> -> memref<128xi32, #tpu.memory_space<vmem>>
      %dma_start3A_170 = arith.constant 0 : i32
      %dma_start3A_171 = arith.constant 0 : i32
      %dma_start3A_172 = tpu.memref_slice %arg2[%dma_start3A_170, %dma_start3A_171] : memref<20000x128xf32, #tpu.memory_space<hbm>> -> memref<20000x128xf32, #tpu.memory_space<hbm>>
      tpu.enqueue_indirect_dma source(%dma_start3A_172 : memref<20000x128xf32, #tpu.memory_space<hbm>>) target(%arg9 : memref<128x128xf32, #tpu.memory_space<vmem>>) offsets(%dma_start3A_169 : memref<128xi32, #tpu.memory_space<vmem>>) semaphore(%arg13 : memref<!tpu.dma_semaphore, #tpu.memory_space<semaphore_mem>>)
    }
    %scan3A_79 = arith.constant 19 : i32
    %dma_wait3A = arith.constant 38 : i32
    %dma_wait3A_80 = arith.constant 0 : i32
    %dma_wait3A_81 = tpu.memref_slice %arg6[%dma_wait3A, %dma_wait3A_80] : memref<40x128xi32, #tpu.memory_space<vmem>> -> memref<1x128xi32, #tpu.memory_space<vmem>>
    %dma_wait3A_82 = tpu.memref_squeeze %dma_wait3A_81 : memref<1x128xi32, #tpu.memory_space<vmem>> -> memref<128xi32, #tpu.memory_space<vmem>>
    %dma_wait3A_83 = arith.constant 0 : i32
    %dma_wait3A_84 = arith.constant 0 : i32
    %dma_wait3A_85 = tpu.memref_slice %arg2[%dma_wait3A_83, %dma_wait3A_84] : memref<20000x128xf32, #tpu.memory_space<hbm>> -> memref<20000x128xf32, #tpu.memory_space<hbm>>
    tpu.wait_indirect_dma semaphore(%arg12 : memref<!tpu.dma_semaphore, #tpu.memory_space<semaphore_mem>>) src(%dma_wait3A_85 : memref<20000x128xf32, #tpu.memory_space<hbm>>) dst(%arg8 : memref<128x128xf32, #tpu.memory_space<vmem>>)
    %run_scoped3A_86 = arith.constant 38 : i32
    "tpu.region"() ({
      %run_scoped3A_138 = tpu.sem_alloc : memref<!tpu.dma_semaphore, #tpu.memory_space<semaphore_mem>>
      %dma_start3A_139 = arith.constant 0 : i32
      %dma_start3A_140 = tpu.memref_slice %arg7[%run_scoped3A_86, %dma_start3A_139] : memref<40x128xi32, #tpu.memory_space<vmem>> -> memref<1x128xi32, #tpu.memory_space<vmem>>
      %dma_start3A_141 = tpu.memref_squeeze %dma_start3A_140 : memref<1x128xi32, #tpu.memory_space<vmem>> -> memref<128xi32, #tpu.memory_space<vmem>>
      %dma_start3A_142 = arith.constant 0 : i32
      %dma_start3A_143 = arith.constant 0 : i32
      %dma_start3A_144 = tpu.memref_slice %arg11[%dma_start3A_142, %dma_start3A_143] : memref<10112x128xf32, #tpu.memory_space<vmem_shared>> -> memref<10112x128xf32, #tpu.memory_space<vmem_shared>>
      tpu.enqueue_indirect_dma source(%arg8 : memref<128x128xf32, #tpu.memory_space<vmem>>) target(%dma_start3A_144 : memref<10112x128xf32, #tpu.memory_space<vmem_shared>>) offsets(%dma_start3A_141 : memref<128xi32, #tpu.memory_space<vmem>>) semaphore(%run_scoped3A_138 : memref<!tpu.dma_semaphore, #tpu.memory_space<semaphore_mem>>) {add = true}
      %dma_wait3A_145 = arith.constant 0 : i32
      %dma_wait3A_146 = tpu.memref_slice %arg7[%run_scoped3A_86, %dma_wait3A_145] : memref<40x128xi32, #tpu.memory_space<vmem>> -> memref<1x128xi32, #tpu.memory_space<vmem>>
      %dma_wait3A_147 = tpu.memref_squeeze %dma_wait3A_146 : memref<1x128xi32, #tpu.memory_space<vmem>> -> memref<128xi32, #tpu.memory_space<vmem>>
      %dma_wait3A_148 = arith.constant 0 : i32
      %dma_wait3A_149 = arith.constant 0 : i32
      %dma_wait3A_150 = tpu.memref_slice %arg11[%dma_wait3A_148, %dma_wait3A_149] : memref<10112x128xf32, #tpu.memory_space<vmem_shared>> -> memref<10112x128xf32, #tpu.memory_space<vmem_shared>>
      tpu.wait_indirect_dma semaphore(%run_scoped3A_138 : memref<!tpu.dma_semaphore, #tpu.memory_space<semaphore_mem>>) src(%arg8 : memref<128x128xf32, #tpu.memory_space<vmem>>) dst(%dma_wait3A_150 : memref<10112x128xf32, #tpu.memory_space<vmem_shared>>)
      tpu.yield
    }) : () -> ()
    %dma_wait3A_87 = arith.constant 39 : i32
    %dma_wait3A_88 = arith.constant 0 : i32
    %dma_wait3A_89 = tpu.memref_slice %arg6[%dma_wait3A_87, %dma_wait3A_88] : memref<40x128xi32, #tpu.memory_space<vmem>> -> memref<1x128xi32, #tpu.memory_space<vmem>>
    %dma_wait3A_90 = tpu.memref_squeeze %dma_wait3A_89 : memref<1x128xi32, #tpu.memory_space<vmem>> -> memref<128xi32, #tpu.memory_space<vmem>>
    %dma_wait3A_91 = arith.constant 0 : i32
    %dma_wait3A_92 = arith.constant 0 : i32
    %dma_wait3A_93 = tpu.memref_slice %arg2[%dma_wait3A_91, %dma_wait3A_92] : memref<20000x128xf32, #tpu.memory_space<hbm>> -> memref<20000x128xf32, #tpu.memory_space<hbm>>
    tpu.wait_indirect_dma semaphore(%arg13 : memref<!tpu.dma_semaphore, #tpu.memory_space<semaphore_mem>>) src(%dma_wait3A_93 : memref<20000x128xf32, #tpu.memory_space<hbm>>) dst(%arg9 : memref<128x128xf32, #tpu.memory_space<vmem>>)
    %run_scoped3A_94 = arith.constant 39 : i32
    "tpu.region"() ({
      %run_scoped3A_138 = tpu.sem_alloc : memref<!tpu.dma_semaphore, #tpu.memory_space<semaphore_mem>>
      %dma_start3A_139 = arith.constant 0 : i32
      %dma_start3A_140 = tpu.memref_slice %arg7[%run_scoped3A_94, %dma_start3A_139] : memref<40x128xi32, #tpu.memory_space<vmem>> -> memref<1x128xi32, #tpu.memory_space<vmem>>
      %dma_start3A_141 = tpu.memref_squeeze %dma_start3A_140 : memref<1x128xi32, #tpu.memory_space<vmem>> -> memref<128xi32, #tpu.memory_space<vmem>>
      %dma_start3A_142 = arith.constant 0 : i32
      %dma_start3A_143 = arith.constant 0 : i32
      %dma_start3A_144 = tpu.memref_slice %arg11[%dma_start3A_142, %dma_start3A_143] : memref<10112x128xf32, #tpu.memory_space<vmem_shared>> -> memref<10112x128xf32, #tpu.memory_space<vmem_shared>>
      tpu.enqueue_indirect_dma source(%arg9 : memref<128x128xf32, #tpu.memory_space<vmem>>) target(%dma_start3A_144 : memref<10112x128xf32, #tpu.memory_space<vmem_shared>>) offsets(%dma_start3A_141 : memref<128xi32, #tpu.memory_space<vmem>>) semaphore(%run_scoped3A_138 : memref<!tpu.dma_semaphore, #tpu.memory_space<semaphore_mem>>) {add = true}
      %dma_wait3A_145 = arith.constant 0 : i32
      %dma_wait3A_146 = tpu.memref_slice %arg7[%run_scoped3A_94, %dma_wait3A_145] : memref<40x128xi32, #tpu.memory_space<vmem>> -> memref<1x128xi32, #tpu.memory_space<vmem>>
      %dma_wait3A_147 = tpu.memref_squeeze %dma_wait3A_146 : memref<1x128xi32, #tpu.memory_space<vmem>> -> memref<128xi32, #tpu.memory_space<vmem>>
      %dma_wait3A_148 = arith.constant 0 : i32
      %dma_wait3A_149 = arith.constant 0 : i32
      %dma_wait3A_150 = tpu.memref_slice %arg11[%dma_wait3A_148, %dma_wait3A_149] : memref<10112x128xf32, #tpu.memory_space<vmem_shared>> -> memref<10112x128xf32, #tpu.memory_space<vmem_shared>>
      tpu.wait_indirect_dma semaphore(%run_scoped3A_138 : memref<!tpu.dma_semaphore, #tpu.memory_space<semaphore_mem>>) src(%arg9 : memref<128x128xf32, #tpu.memory_space<vmem>>) dst(%dma_wait3A_150 : memref<10112x128xf32, #tpu.memory_space<vmem_shared>>)
      tpu.yield
    }) : () -> ()
    %run_scoped3A_95 = arith.constant 1 : i32
    "tpu.region"() ({
      %run_scoped3A_138 = tpu.sem_alloc : memref<!tpu.dma_semaphore, #tpu.memory_space<semaphore_mem>>
      %dma_start3A_139 = arith.constant 0 : i32
      %dma_start3A_140 = arith.constant 0 : i32
      %dma_start3A_141 = tpu.memref_slice %arg3[%arg0, %arg1, %run_scoped3A_95, %dma_start3A_139, %dma_start3A_140] : memref<2x16x2x40x128xi32, #tpu.memory_space<hbm>> -> memref<1x1x1x40x128xi32, #tpu.memory_space<hbm>>
      %dma_start3A_142 = tpu.memref_squeeze %dma_start3A_141 : memref<1x1x1x40x128xi32, #tpu.memory_space<hbm>> -> memref<40x128xi32, #tpu.memory_space<hbm>>
      %dma_start3A_143 = arith.constant 0 : i32
      %dma_start3A_144 = arith.constant 0 : i32
      %dma_start3A_145 = tpu.memref_slice %arg3[%arg0, %arg1, %run_scoped3A_95, %dma_start3A_143, %dma_start3A_144] : memref<2x16x2x40x128xi32, #tpu.memory_space<hbm>> -> memref<1x1x1x40x128xi32, #tpu.memory_space<hbm>>
      %dma_start3A_146 = tpu.memref_squeeze %dma_start3A_145 : memref<1x1x1x40x128xi32, #tpu.memory_space<hbm>> -> memref<40x128xi32, #tpu.memory_space<hbm>>
      tpu.enqueue_dma source(%dma_start3A_146 : memref<40x128xi32, #tpu.memory_space<hbm>>) target(%arg6 : memref<40x128xi32, #tpu.memory_space<vmem>>) target_semaphore(%run_scoped3A_138 : memref<!tpu.dma_semaphore, #tpu.memory_space<semaphore_mem>>)
      %dma_wait3A_147 = arith.constant 0 : i32
      %dma_wait3A_148 = arith.constant 0 : i32
      %dma_wait3A_149 = tpu.memref_slice %arg3[%arg0, %arg1, %run_scoped3A_95, %dma_wait3A_147, %dma_wait3A_148] : memref<2x16x2x40x128xi32, #tpu.memory_space<hbm>> -> memref<1x1x1x40x128xi32, #tpu.memory_space<hbm>>
      %dma_wait3A_150 = tpu.memref_squeeze %dma_wait3A_149 : memref<1x1x1x40x128xi32, #tpu.memory_space<hbm>> -> memref<40x128xi32, #tpu.memory_space<hbm>>
      %dma_wait3A_151 = arith.constant 0 : i32
      %dma_wait3A_152 = arith.constant 0 : i32
      %dma_wait3A_153 = tpu.memref_slice %arg3[%arg0, %arg1, %run_scoped3A_95, %dma_wait3A_151, %dma_wait3A_152] : memref<2x16x2x40x128xi32, #tpu.memory_space<hbm>> -> memref<1x1x1x40x128xi32, #tpu.memory_space<hbm>>
      %dma_wait3A_154 = tpu.memref_squeeze %dma_wait3A_153 : memref<1x1x1x40x128xi32, #tpu.memory_space<hbm>> -> memref<40x128xi32, #tpu.memory_space<hbm>>
      tpu.wait_dma2 semaphore(%run_scoped3A_138 : memref<!tpu.dma_semaphore, #tpu.memory_space<semaphore_mem>>) src(%dma_wait3A_154 : memref<40x128xi32, #tpu.memory_space<hbm>>) dst(%arg6 : memref<40x128xi32, #tpu.memory_space<vmem>>)
      tpu.yield
    }) : () -> ()
    %run_scoped3A_96 = arith.constant 1 : i32
    "tpu.region"() ({
      %run_scoped3A_138 = tpu.sem_alloc : memref<!tpu.dma_semaphore, #tpu.memory_space<semaphore_mem>>
      %dma_start3A_139 = arith.constant 0 : i32
      %dma_start3A_140 = arith.constant 0 : i32
      %dma_start3A_141 = tpu.memref_slice %arg4[%arg1, %run_scoped3A_96, %dma_start3A_139, %dma_start3A_140] : memref<16x2x40x128xi32, #tpu.memory_space<hbm>> -> memref<1x1x40x128xi32, #tpu.memory_space<hbm>>
      %dma_start3A_142 = tpu.memref_squeeze %dma_start3A_141 : memref<1x1x40x128xi32, #tpu.memory_space<hbm>> -> memref<40x128xi32, #tpu.memory_space<hbm>>
      %dma_start3A_143 = arith.constant 0 : i32
      %dma_start3A_144 = arith.constant 0 : i32
      %dma_start3A_145 = tpu.memref_slice %arg4[%arg1, %run_scoped3A_96, %dma_start3A_143, %dma_start3A_144] : memref<16x2x40x128xi32, #tpu.memory_space<hbm>> -> memref<1x1x40x128xi32, #tpu.memory_space<hbm>>
      %dma_start3A_146 = tpu.memref_squeeze %dma_start3A_145 : memref<1x1x40x128xi32, #tpu.memory_space<hbm>> -> memref<40x128xi32, #tpu.memory_space<hbm>>
      tpu.enqueue_dma source(%dma_start3A_146 : memref<40x128xi32, #tpu.memory_space<hbm>>) target(%arg7 : memref<40x128xi32, #tpu.memory_space<vmem>>) target_semaphore(%run_scoped3A_138 : memref<!tpu.dma_semaphore, #tpu.memory_space<semaphore_mem>>)
      %dma_wait3A_147 = arith.constant 0 : i32
      %dma_wait3A_148 = arith.constant 0 : i32
      %dma_wait3A_149 = tpu.memref_slice %arg4[%arg1, %run_scoped3A_96, %dma_wait3A_147, %dma_wait3A_148] : memref<16x2x40x128xi32, #tpu.memory_space<hbm>> -> memref<1x1x40x128xi32, #tpu.memory_space<hbm>>
      %dma_wait3A_150 = tpu.memref_squeeze %dma_wait3A_149 : memref<1x1x40x128xi32, #tpu.memory_space<hbm>> -> memref<40x128xi32, #tpu.memory_space<hbm>>
      %dma_wait3A_151 = arith.constant 0 : i32
      %dma_wait3A_152 = arith.constant 0 : i32
      %dma_wait3A_153 = tpu.memref_slice %arg4[%arg1, %run_scoped3A_96, %dma_wait3A_151, %dma_wait3A_152] : memref<16x2x40x128xi32, #tpu.memory_space<hbm>> -> memref<1x1x40x128xi32, #tpu.memory_space<hbm>>
      %dma_wait3A_154 = tpu.memref_squeeze %dma_wait3A_153 : memref<1x1x40x128xi32, #tpu.memory_space<hbm>> -> memref<40x128xi32, #tpu.memory_space<hbm>>
      tpu.wait_dma2 semaphore(%run_scoped3A_138 : memref<!tpu.dma_semaphore, #tpu.memory_space<semaphore_mem>>) src(%dma_wait3A_154 : memref<40x128xi32, #tpu.memory_space<hbm>>) dst(%arg7 : memref<40x128xi32, #tpu.memory_space<vmem>>)
      tpu.yield
    }) : () -> ()
    %dma_start3A_97 = arith.constant 0 : i32
    %dma_start3A_98 = arith.constant 0 : i32
    %dma_start3A_99 = tpu.memref_slice %arg6[%dma_start3A_97, %dma_start3A_98] : memref<40x128xi32, #tpu.memory_space<vmem>> -> memref<1x128xi32, #tpu.memory_space<vmem>>
    %dma_start3A_100 = tpu.memref_squeeze %dma_start3A_99 : memref<1x128xi32, #tpu.memory_space<vmem>> -> memref<128xi32, #tpu.memory_space<vmem>>
    %dma_start3A_101 = arith.constant 0 : i32
    %dma_start3A_102 = arith.constant 0 : i32
    %dma_start3A_103 = tpu.memref_slice %arg2[%dma_start3A_101, %dma_start3A_102] : memref<20000x128xf32, #tpu.memory_space<hbm>> -> memref<20000x128xf32, #tpu.memory_space<hbm>>
    tpu.enqueue_indirect_dma source(%dma_start3A_103 : memref<20000x128xf32, #tpu.memory_space<hbm>>) target(%arg8 : memref<128x128xf32, #tpu.memory_space<vmem>>) offsets(%dma_start3A_100 : memref<128xi32, #tpu.memory_space<vmem>>) semaphore(%arg12 : memref<!tpu.dma_semaphore, #tpu.memory_space<semaphore_mem>>)
    %dma_start3A_104 = arith.constant 1 : i32
    %dma_start3A_105 = arith.constant 0 : i32
    %dma_start3A_106 = tpu.memref_slice %arg6[%dma_start3A_104, %dma_start3A_105] : memref<40x128xi32, #tpu.memory_space<vmem>> -> memref<1x128xi32, #tpu.memory_space<vmem>>
    %dma_start3A_107 = tpu.memref_squeeze %dma_start3A_106 : memref<1x128xi32, #tpu.memory_space<vmem>> -> memref<128xi32, #tpu.memory_space<vmem>>
    %dma_start3A_108 = arith.constant 0 : i32
    %dma_start3A_109 = arith.constant 0 : i32
    %dma_start3A_110 = tpu.memref_slice %arg2[%dma_start3A_108, %dma_start3A_109] : memref<20000x128xf32, #tpu.memory_space<hbm>> -> memref<20000x128xf32, #tpu.memory_space<hbm>>
    tpu.enqueue_indirect_dma source(%dma_start3A_110 : memref<20000x128xf32, #tpu.memory_space<hbm>>) target(%arg9 : memref<128x128xf32, #tpu.memory_space<vmem>>) offsets(%dma_start3A_107 : memref<128xi32, #tpu.memory_space<vmem>>) semaphore(%arg13 : memref<!tpu.dma_semaphore, #tpu.memory_space<semaphore_mem>>)
    %scan3A_111 = arith.constant 0 : i32
    %scan3A_112 = arith.constant 0 : i32
    %scan3A_113 = arith.constant 19 : i32
    %scan3A_114 = arith.addi %scan3A_112, %scan3A_113 : i32
    %scan3A_115 = arith.constant 1 : i32
    scf.for %scan3A_138 = %scan3A_112 to %scan3A_114 step %scan3A_115  : i32 {
      %mul3A_139 = arith.constant 2 : i32
      %mul3A_140 = arith.muli %mul3A_139, %scan3A_138 : i32
      %dma_wait3A_141 = arith.constant 0 : i32
      %dma_wait3A_142 = tpu.memref_slice %arg6[%mul3A_140, %dma_wait3A_141] : memref<40x128xi32, #tpu.memory_space<vmem>> -> memref<1x128xi32, #tpu.memory_space<vmem>>
      %dma_wait3A_143 = tpu.memref_squeeze %dma_wait3A_142 : memref<1x128xi32, #tpu.memory_space<vmem>> -> memref<128xi32, #tpu.memory_space<vmem>>
      %dma_wait3A_144 = arith.constant 0 : i32
      %dma_wait3A_145 = arith.constant 0 : i32
      %dma_wait3A_146 = tpu.memref_slice %arg2[%dma_wait3A_144, %dma_wait3A_145] : memref<20000x128xf32, #tpu.memory_space<hbm>> -> memref<20000x128xf32, #tpu.memory_space<hbm>>
      tpu.wait_indirect_dma semaphore(%arg12 : memref<!tpu.dma_semaphore, #tpu.memory_space<semaphore_mem>>) src(%dma_wait3A_146 : memref<20000x128xf32, #tpu.memory_space<hbm>>) dst(%arg8 : memref<128x128xf32, #tpu.memory_space<vmem>>)
      "tpu.region"() ({
        %run_scoped3A_173 = tpu.sem_alloc : memref<!tpu.dma_semaphore, #tpu.memory_space<semaphore_mem>>
        %dma_start3A_174 = arith.constant 0 : i32
        %dma_start3A_175 = tpu.memref_slice %arg7[%mul3A_140, %dma_start3A_174] : memref<40x128xi32, #tpu.memory_space<vmem>> -> memref<1x128xi32, #tpu.memory_space<vmem>>
        %dma_start3A_176 = tpu.memref_squeeze %dma_start3A_175 : memref<1x128xi32, #tpu.memory_space<vmem>> -> memref<128xi32, #tpu.memory_space<vmem>>
        %dma_start3A_177 = arith.constant 0 : i32
        %dma_start3A_178 = arith.constant 0 : i32
        %dma_start3A_179 = tpu.memref_slice %arg11[%dma_start3A_177, %dma_start3A_178] : memref<10112x128xf32, #tpu.memory_space<vmem_shared>> -> memref<10112x128xf32, #tpu.memory_space<vmem_shared>>
        tpu.enqueue_indirect_dma source(%arg8 : memref<128x128xf32, #tpu.memory_space<vmem>>) target(%dma_start3A_179 : memref<10112x128xf32, #tpu.memory_space<vmem_shared>>) offsets(%dma_start3A_176 : memref<128xi32, #tpu.memory_space<vmem>>) semaphore(%run_scoped3A_173 : memref<!tpu.dma_semaphore, #tpu.memory_space<semaphore_mem>>) {add = true}
        %dma_wait3A_180 = arith.constant 0 : i32
        %dma_wait3A_181 = tpu.memref_slice %arg7[%mul3A_140, %dma_wait3A_180] : memref<40x128xi32, #tpu.memory_space<vmem>> -> memref<1x128xi32, #tpu.memory_space<vmem>>
        %dma_wait3A_182 = tpu.memref_squeeze %dma_wait3A_181 : memref<1x128xi32, #tpu.memory_space<vmem>> -> memref<128xi32, #tpu.memory_space<vmem>>
        %dma_wait3A_183 = arith.constant 0 : i32
        %dma_wait3A_184 = arith.constant 0 : i32
        %dma_wait3A_185 = tpu.memref_slice %arg11[%dma_wait3A_183, %dma_wait3A_184] : memref<10112x128xf32, #tpu.memory_space<vmem_shared>> -> memref<10112x128xf32, #tpu.memory_space<vmem_shared>>
        tpu.wait_indirect_dma semaphore(%run_scoped3A_173 : memref<!tpu.dma_semaphore, #tpu.memory_space<semaphore_mem>>) src(%arg8 : memref<128x128xf32, #tpu.memory_space<vmem>>) dst(%dma_wait3A_185 : memref<10112x128xf32, #tpu.memory_space<vmem_shared>>)
        tpu.yield
      }) : () -> ()
      %add3A_147 = arith.constant 2 : i32
      %add3A_148 = arith.addi %mul3A_140, %add3A_147 : i32
      %dma_start3A_149 = arith.constant 0 : i32
      %dma_start3A_150 = tpu.memref_slice %arg6[%add3A_148, %dma_start3A_149] : memref<40x128xi32, #tpu.memory_space<vmem>> -> memref<1x128xi32, #tpu.memory_space<vmem>>
      %dma_start3A_151 = tpu.memref_squeeze %dma_start3A_150 : memref<1x128xi32, #tpu.memory_space<vmem>> -> memref<128xi32, #tpu.memory_space<vmem>>
      %dma_start3A_152 = arith.constant 0 : i32
      %dma_start3A_153 = arith.constant 0 : i32
      %dma_start3A_154 = tpu.memref_slice %arg2[%dma_start3A_152, %dma_start3A_153] : memref<20000x128xf32, #tpu.memory_space<hbm>> -> memref<20000x128xf32, #tpu.memory_space<hbm>>
      tpu.enqueue_indirect_dma source(%dma_start3A_154 : memref<20000x128xf32, #tpu.memory_space<hbm>>) target(%arg8 : memref<128x128xf32, #tpu.memory_space<vmem>>) offsets(%dma_start3A_151 : memref<128xi32, #tpu.memory_space<vmem>>) semaphore(%arg12 : memref<!tpu.dma_semaphore, #tpu.memory_space<semaphore_mem>>)
      %add3A_155 = arith.constant 1 : i32
      %add3A_156 = arith.addi %mul3A_140, %add3A_155 : i32
      %dma_wait3A_157 = arith.constant 0 : i32
      %dma_wait3A_158 = tpu.memref_slice %arg6[%add3A_156, %dma_wait3A_157] : memref<40x128xi32, #tpu.memory_space<vmem>> -> memref<1x128xi32, #tpu.memory_space<vmem>>
      %dma_wait3A_159 = tpu.memref_squeeze %dma_wait3A_158 : memref<1x128xi32, #tpu.memory_space<vmem>> -> memref<128xi32, #tpu.memory_space<vmem>>
      %dma_wait3A_160 = arith.constant 0 : i32
      %dma_wait3A_161 = arith.constant 0 : i32
      %dma_wait3A_162 = tpu.memref_slice %arg2[%dma_wait3A_160, %dma_wait3A_161] : memref<20000x128xf32, #tpu.memory_space<hbm>> -> memref<20000x128xf32, #tpu.memory_space<hbm>>
      tpu.wait_indirect_dma semaphore(%arg13 : memref<!tpu.dma_semaphore, #tpu.memory_space<semaphore_mem>>) src(%dma_wait3A_162 : memref<20000x128xf32, #tpu.memory_space<hbm>>) dst(%arg9 : memref<128x128xf32, #tpu.memory_space<vmem>>)
      %add3A_163 = arith.constant 1 : i32
      %add3A_164 = arith.addi %mul3A_140, %add3A_163 : i32
      "tpu.region"() ({
        %run_scoped3A_173 = tpu.sem_alloc : memref<!tpu.dma_semaphore, #tpu.memory_space<semaphore_mem>>
        %dma_start3A_174 = arith.constant 0 : i32
        %dma_start3A_175 = tpu.memref_slice %arg7[%add3A_164, %dma_start3A_174] : memref<40x128xi32, #tpu.memory_space<vmem>> -> memref<1x128xi32, #tpu.memory_space<vmem>>
        %dma_start3A_176 = tpu.memref_squeeze %dma_start3A_175 : memref<1x128xi32, #tpu.memory_space<vmem>> -> memref<128xi32, #tpu.memory_space<vmem>>
        %dma_start3A_177 = arith.constant 0 : i32
        %dma_start3A_178 = arith.constant 0 : i32
        %dma_start3A_179 = tpu.memref_slice %arg11[%dma_start3A_177, %dma_start3A_178] : memref<10112x128xf32, #tpu.memory_space<vmem_shared>> -> memref<10112x128xf32, #tpu.memory_space<vmem_shared>>
        tpu.enqueue_indirect_dma source(%arg9 : memref<128x128xf32, #tpu.memory_space<vmem>>) target(%dma_start3A_179 : memref<10112x128xf32, #tpu.memory_space<vmem_shared>>) offsets(%dma_start3A_176 : memref<128xi32, #tpu.memory_space<vmem>>) semaphore(%run_scoped3A_173 : memref<!tpu.dma_semaphore, #tpu.memory_space<semaphore_mem>>) {add = true}
        %dma_wait3A_180 = arith.constant 0 : i32
        %dma_wait3A_181 = tpu.memref_slice %arg7[%add3A_164, %dma_wait3A_180] : memref<40x128xi32, #tpu.memory_space<vmem>> -> memref<1x128xi32, #tpu.memory_space<vmem>>
        %dma_wait3A_182 = tpu.memref_squeeze %dma_wait3A_181 : memref<1x128xi32, #tpu.memory_space<vmem>> -> memref<128xi32, #tpu.memory_space<vmem>>
        %dma_wait3A_183 = arith.constant 0 : i32
        %dma_wait3A_184 = arith.constant 0 : i32
        %dma_wait3A_185 = tpu.memref_slice %arg11[%dma_wait3A_183, %dma_wait3A_184] : memref<10112x128xf32, #tpu.memory_space<vmem_shared>> -> memref<10112x128xf32, #tpu.memory_space<vmem_shared>>
        tpu.wait_indirect_dma semaphore(%run_scoped3A_173 : memref<!tpu.dma_semaphore, #tpu.memory_space<semaphore_mem>>) src(%arg9 : memref<128x128xf32, #tpu.memory_space<vmem>>) dst(%dma_wait3A_185 : memref<10112x128xf32, #tpu.memory_space<vmem_shared>>)
        tpu.yield
      }) : () -> ()
      %add3A_165 = arith.constant 3 : i32
      %add3A_166 = arith.addi %mul3A_140, %add3A_165 : i32
      %dma_start3A_167 = arith.constant 0 : i32
      %dma_start3A_168 = tpu.memref_slice %arg6[%add3A_166, %dma_start3A_167] : memref<40x128xi32, #tpu.memory_space<vmem>> -> memref<1x128xi32, #tpu.memory_space<vmem>>
      %dma_start3A_169 = tpu.memref_squeeze %dma_start3A_168 : memref<1x128xi32, #tpu.memory_space<vmem>> -> memref<128xi32, #tpu.memory_space<vmem>>
      %dma_start3A_170 = arith.constant 0 : i32
      %dma_start3A_171 = arith.constant 0 : i32
      %dma_start3A_172 = tpu.memref_slice %arg2[%dma_start3A_170, %dma_start3A_171] : memref<20000x128xf32, #tpu.memory_space<hbm>> -> memref<20000x128xf32, #tpu.memory_space<hbm>>
      tpu.enqueue_indirect_dma source(%dma_start3A_172 : memref<20000x128xf32, #tpu.memory_space<hbm>>) target(%arg9 : memref<128x128xf32, #tpu.memory_space<vmem>>) offsets(%dma_start3A_169 : memref<128xi32, #tpu.memory_space<vmem>>) semaphore(%arg13 : memref<!tpu.dma_semaphore, #tpu.memory_space<semaphore_mem>>)
    }
    %scan3A_116 = arith.constant 19 : i32
    %dma_wait3A_117 = arith.constant 38 : i32
    %dma_wait3A_118 = arith.constant 0 : i32
    %dma_wait3A_119 = tpu.memref_slice %arg6[%dma_wait3A_117, %dma_wait3A_118] : memref<40x128xi32, #tpu.memory_space<vmem>> -> memref<1x128xi32, #tpu.memory_space<vmem>>
    %dma_wait3A_120 = tpu.memref_squeeze %dma_wait3A_119 : memref<1x128xi32, #tpu.memory_space<vmem>> -> memref<128xi32, #tpu.memory_space<vmem>>
    %dma_wait3A_121 = arith.constant 0 : i32
    %dma_wait3A_122 = arith.constant 0 : i32
    %dma_wait3A_123 = tpu.memref_slice %arg2[%dma_wait3A_121, %dma_wait3A_122] : memref<20000x128xf32, #tpu.memory_space<hbm>> -> memref<20000x128xf32, #tpu.memory_space<hbm>>
    tpu.wait_indirect_dma semaphore(%arg12 : memref<!tpu.dma_semaphore, #tpu.memory_space<semaphore_mem>>) src(%dma_wait3A_123 : memref<20000x128xf32, #tpu.memory_space<hbm>>) dst(%arg8 : memref<128x128xf32, #tpu.memory_space<vmem>>)
    %run_scoped3A_124 = arith.constant 38 : i32
    "tpu.region"() ({
      %run_scoped3A_138 = tpu.sem_alloc : memref<!tpu.dma_semaphore, #tpu.memory_space<semaphore_mem>>
      %dma_start3A_139 = arith.constant 0 : i32
      %dma_start3A_140 = tpu.memref_slice %arg7[%run_scoped3A_124, %dma_start3A_139] : memref<40x128xi32, #tpu.memory_space<vmem>> -> memref<1x128xi32, #tpu.memory_space<vmem>>
      %dma_start3A_141 = tpu.memref_squeeze %dma_start3A_140 : memref<1x128xi32, #tpu.memory_space<vmem>> -> memref<128xi32, #tpu.memory_space<vmem>>
      %dma_start3A_142 = arith.constant 0 : i32
      %dma_start3A_143 = arith.constant 0 : i32
      %dma_start3A_144 = tpu.memref_slice %arg11[%dma_start3A_142, %dma_start3A_143] : memref<10112x128xf32, #tpu.memory_space<vmem_shared>> -> memref<10112x128xf32, #tpu.memory_space<vmem_shared>>
      tpu.enqueue_indirect_dma source(%arg8 : memref<128x128xf32, #tpu.memory_space<vmem>>) target(%dma_start3A_144 : memref<10112x128xf32, #tpu.memory_space<vmem_shared>>) offsets(%dma_start3A_141 : memref<128xi32, #tpu.memory_space<vmem>>) semaphore(%run_scoped3A_138 : memref<!tpu.dma_semaphore, #tpu.memory_space<semaphore_mem>>) {add = true}
      %dma_wait3A_145 = arith.constant 0 : i32
      %dma_wait3A_146 = tpu.memref_slice %arg7[%run_scoped3A_124, %dma_wait3A_145] : memref<40x128xi32, #tpu.memory_space<vmem>> -> memref<1x128xi32, #tpu.memory_space<vmem>>
      %dma_wait3A_147 = tpu.memref_squeeze %dma_wait3A_146 : memref<1x128xi32, #tpu.memory_space<vmem>> -> memref<128xi32, #tpu.memory_space<vmem>>
      %dma_wait3A_148 = arith.constant 0 : i32
      %dma_wait3A_149 = arith.constant 0 : i32
      %dma_wait3A_150 = tpu.memref_slice %arg11[%dma_wait3A_148, %dma_wait3A_149] : memref<10112x128xf32, #tpu.memory_space<vmem_shared>> -> memref<10112x128xf32, #tpu.memory_space<vmem_shared>>
      tpu.wait_indirect_dma semaphore(%run_scoped3A_138 : memref<!tpu.dma_semaphore, #tpu.memory_space<semaphore_mem>>) src(%arg8 : memref<128x128xf32, #tpu.memory_space<vmem>>) dst(%dma_wait3A_150 : memref<10112x128xf32, #tpu.memory_space<vmem_shared>>)
      tpu.yield
    }) : () -> ()
    %dma_wait3A_125 = arith.constant 39 : i32
    %dma_wait3A_126 = arith.constant 0 : i32
    %dma_wait3A_127 = tpu.memref_slice %arg6[%dma_wait3A_125, %dma_wait3A_126] : memref<40x128xi32, #tpu.memory_space<vmem>> -> memref<1x128xi32, #tpu.memory_space<vmem>>
    %dma_wait3A_128 = tpu.memref_squeeze %dma_wait3A_127 : memref<1x128xi32, #tpu.memory_space<vmem>> -> memref<128xi32, #tpu.memory_space<vmem>>
    %dma_wait3A_129 = arith.constant 0 : i32
    %dma_wait3A_130 = arith.constant 0 : i32
    %dma_wait3A_131 = tpu.memref_slice %arg2[%dma_wait3A_129, %dma_wait3A_130] : memref<20000x128xf32, #tpu.memory_space<hbm>> -> memref<20000x128xf32, #tpu.memory_space<hbm>>
    tpu.wait_indirect_dma semaphore(%arg13 : memref<!tpu.dma_semaphore, #tpu.memory_space<semaphore_mem>>) src(%dma_wait3A_131 : memref<20000x128xf32, #tpu.memory_space<hbm>>) dst(%arg9 : memref<128x128xf32, #tpu.memory_space<vmem>>)
    %run_scoped3A_132 = arith.constant 39 : i32
    "tpu.region"() ({
      %run_scoped3A_138 = tpu.sem_alloc : memref<!tpu.dma_semaphore, #tpu.memory_space<semaphore_mem>>
      %dma_start3A_139 = arith.constant 0 : i32
      %dma_start3A_140 = tpu.memref_slice %arg7[%run_scoped3A_132, %dma_start3A_139] : memref<40x128xi32, #tpu.memory_space<vmem>> -> memref<1x128xi32, #tpu.memory_space<vmem>>
      %dma_start3A_141 = tpu.memref_squeeze %dma_start3A_140 : memref<1x128xi32, #tpu.memory_space<vmem>> -> memref<128xi32, #tpu.memory_space<vmem>>
      %dma_start3A_142 = arith.constant 0 : i32
      %dma_start3A_143 = arith.constant 0 : i32
      %dma_start3A_144 = tpu.memref_slice %arg11[%dma_start3A_142, %dma_start3A_143] : memref<10112x128xf32, #tpu.memory_space<vmem_shared>> -> memref<10112x128xf32, #tpu.memory_space<vmem_shared>>
      tpu.enqueue_indirect_dma source(%arg9 : memref<128x128xf32, #tpu.memory_space<vmem>>) target(%dma_start3A_144 : memref<10112x128xf32, #tpu.memory_space<vmem_shared>>) offsets(%dma_start3A_141 : memref<128xi32, #tpu.memory_space<vmem>>) semaphore(%run_scoped3A_138 : memref<!tpu.dma_semaphore, #tpu.memory_space<semaphore_mem>>) {add = true}
      %dma_wait3A_145 = arith.constant 0 : i32
      %dma_wait3A_146 = tpu.memref_slice %arg7[%run_scoped3A_132, %dma_wait3A_145] : memref<40x128xi32, #tpu.memory_space<vmem>> -> memref<1x128xi32, #tpu.memory_space<vmem>>
      %dma_wait3A_147 = tpu.memref_squeeze %dma_wait3A_146 : memref<1x128xi32, #tpu.memory_space<vmem>> -> memref<128xi32, #tpu.memory_space<vmem>>
      %dma_wait3A_148 = arith.constant 0 : i32
      %dma_wait3A_149 = arith.constant 0 : i32
      %dma_wait3A_150 = tpu.memref_slice %arg11[%dma_wait3A_148, %dma_wait3A_149] : memref<10112x128xf32, #tpu.memory_space<vmem_shared>> -> memref<10112x128xf32, #tpu.memory_space<vmem_shared>>
      tpu.wait_indirect_dma semaphore(%run_scoped3A_138 : memref<!tpu.dma_semaphore, #tpu.memory_space<semaphore_mem>>) src(%arg9 : memref<128x128xf32, #tpu.memory_space<vmem>>) dst(%dma_wait3A_150 : memref<10112x128xf32, #tpu.memory_space<vmem_shared>>)
      tpu.yield
    }) : () -> ()
    %barrier3A_133 = arith.constant 0 : index
    tpu.barrier barrier_id(%barrier3A_133)
    %mul3A_134 = arith.constant 632 : i32
    %mul3A_135 = arith.muli %arg1, %mul3A_134 : i32
    %mul3A_136 = arith.constant 632 : i32
    %mul3A_137 = arith.muli %arg1, %mul3A_136 : i32
    "tpu.region"() ({
      %run_scoped3A_138 = tpu.sem_alloc : memref<!tpu.dma_semaphore, #tpu.memory_space<semaphore_mem>>
      %dma_start3A_139 = arith.constant 0 : i32
      %dma_start3A_140 = tpu.memref_slice %arg5[%arg0, %mul3A_137, %dma_start3A_139] : memref<2x10112x128xf32, #tpu.memory_space<hbm>> -> memref<1x632x128xf32, #tpu.memory_space<hbm>>
      %dma_start3A_141 = tpu.memref_squeeze %dma_start3A_140 : memref<1x632x128xf32, #tpu.memory_space<hbm>> -> memref<632x128xf32, #tpu.memory_space<hbm>>
      %dma_start3A_142 = arith.constant 0 : i32
      %dma_start3A_143 = tpu.memref_slice %arg11[%mul3A_135, %dma_start3A_142] : memref<10112x128xf32, #tpu.memory_space<vmem_shared>> -> memref<632x128xf32, #tpu.memory_space<vmem_shared>>
      tpu.enqueue_dma source(%dma_start3A_143 : memref<632x128xf32, #tpu.memory_space<vmem_shared>>) target(%dma_start3A_141 : memref<632x128xf32, #tpu.memory_space<hbm>>) target_semaphore(%run_scoped3A_138 : memref<!tpu.dma_semaphore, #tpu.memory_space<semaphore_mem>>)
      %dma_wait3A_144 = arith.constant 0 : i32
      %dma_wait3A_145 = tpu.memref_slice %arg5[%arg0, %mul3A_137, %dma_wait3A_144] : memref<2x10112x128xf32, #tpu.memory_space<hbm>> -> memref<1x632x128xf32, #tpu.memory_space<hbm>>
      %dma_wait3A_146 = tpu.memref_squeeze %dma_wait3A_145 : memref<1x632x128xf32, #tpu.memory_space<hbm>> -> memref<632x128xf32, #tpu.memory_space<hbm>>
      %dma_wait3A_147 = arith.constant 0 : i32
      %dma_wait3A_148 = tpu.memref_slice %arg11[%mul3A_135, %dma_wait3A_147] : memref<10112x128xf32, #tpu.memory_space<vmem_shared>> -> memref<632x128xf32, #tpu.memory_space<vmem_shared>>
      tpu.wait_dma2 semaphore(%run_scoped3A_138 : memref<!tpu.dma_semaphore, #tpu.memory_space<semaphore_mem>>) src(%dma_wait3A_148 : memref<632x128xf32, #tpu.memory_space<vmem_shared>>) dst(%dma_wait3A_146 : memref<632x128xf32, #tpu.memory_space<hbm>>)
      tpu.yield
    }) : () -> ()
    return
  }
}

module attributes {stable_mosaic.version = 14 : i64} {
  func.func @_tc_body(%arg0: i32, %arg1: memref<1000x256xf32, #tpu.memory_space<vmem>>, %arg2: memref<1x1000x128xf32, #tpu.memory_space<vmem>>, %arg3: memref<1x1000x128xf32, #tpu.memory_space<vmem>>, %arg4: memref<256x256xf32, #tpu.memory_space<vmem>>, %arg5: memref<128x256xf32, #tpu.memory_space<vmem>>, %arg6: memref<128x256xf32, #tpu.memory_space<vmem>>, %arg7: memref<1x256xf32, #tpu.memory_space<vmem>>, %arg8: memref<1000x256xf32, #tpu.memory_space<vmem>>) attributes {dimension_semantics = [#tpu.dimension_semantics<arbitrary>], iteration_bounds = array<i64: 10>, scalar_prefetch = 0 : i64, scratch_operands = 0 : i64, tpu.core_type = #tpu.core_type<tc>, window_params = [{transform_indices = @transform_0, window_bounds = array<i64: 1000, 256>}, {transform_indices = @transform_1, window_bounds = array<i64: 1, 1000, 128>}, {transform_indices = @transform_2, window_bounds = array<i64: 1, 1000, 128>}, {pipeline_mode = #tpu.pipeline_mode<synchronous>, transform_indices = @transform_3, window_bounds = array<i64: 256, 256>}, {pipeline_mode = #tpu.pipeline_mode<synchronous>, transform_indices = @transform_4, window_bounds = array<i64: 128, 256>}, {pipeline_mode = #tpu.pipeline_mode<synchronous>, transform_indices = @transform_5, window_bounds = array<i64: 128, 256>}, {pipeline_mode = #tpu.pipeline_mode<synchronous>, transform_indices = @transform_6, window_bounds = array<i64: 1, 256>}, {transform_indices = @transform_7, window_bounds = array<i64: 1000, 256>}]} {
    %get3A = arith.constant 0 : index
    %get3A_0 = arith.constant 0 : index
    %get3A_1 = vector.load %arg1[%get3A, %get3A_0] : memref<1000x256xf32, #tpu.memory_space<vmem>>, vector<1000x256xf32>
    %convert_element_type3A = arith.truncf %get3A_1 : vector<1000x256xf32> to vector<1000x256xbf16>
    %get3A_2 = arith.constant 0 : index
    %get3A_3 = arith.constant 0 : index
    %get3A_4 = vector.load %arg4[%get3A_2, %get3A_3] : memref<256x256xf32, #tpu.memory_space<vmem>>, vector<256x256xf32>
    %convert_element_type3A_5 = arith.truncf %get3A_4 : vector<256x256xf32> to vector<256x256xbf16>
    %dot_general3A = arith.constant dense<0.000000e+00> : vector<1000x256xf32>
    %dot_general3A_6 = tpu.matmul %convert_element_type3A, %convert_element_type3A_5, %dot_general3A {dimension_numbers = #tpu.dot_dimension_numbers<[1], [0], [0], [1], [0, 0, 1, 1], [], []>, transpose_lhs_hint = false} : vector<1000x256xbf16>, vector<256x256xbf16>, vector<1000x256xf32> -> vector<1000x256xf32>
    %get3A_7 = arith.constant 0 : index
    %get3A_8 = arith.constant 0 : index
    %get3A_9 = arith.constant 0 : index
    %get3A_10 = vector.load %arg2[%get3A_7, %get3A_8, %get3A_9] : memref<1x1000x128xf32, #tpu.memory_space<vmem>>, vector<1x1000x128xf32>
    %get3A_11 = vector.shape_cast %get3A_10 : vector<1x1000x128xf32> to vector<1000x128xf32>
    %convert_element_type3A_12 = arith.truncf %get3A_11 : vector<1000x128xf32> to vector<1000x128xbf16>
    %get3A_13 = arith.constant 0 : index
    %get3A_14 = arith.constant 0 : index
    %get3A_15 = vector.load %arg5[%get3A_13, %get3A_14] : memref<128x256xf32, #tpu.memory_space<vmem>>, vector<128x256xf32>
    %convert_element_type3A_16 = arith.truncf %get3A_15 : vector<128x256xf32> to vector<128x256xbf16>
    %dot_general3A_17 = arith.constant dense<0.000000e+00> : vector<1000x256xf32>
    %dot_general3A_18 = tpu.matmul %convert_element_type3A_12, %convert_element_type3A_16, %dot_general3A_17 {dimension_numbers = #tpu.dot_dimension_numbers<[1], [0], [0], [1], [0, 0, 1, 1], [], []>, transpose_lhs_hint = false} : vector<1000x128xbf16>, vector<128x256xbf16>, vector<1000x256xf32> -> vector<1000x256xf32>
    %add3A = arith.addf %dot_general3A_6, %dot_general3A_18 : vector<1000x256xf32>
    %get3A_19 = arith.constant 0 : index
    %get3A_20 = arith.constant 0 : index
    %get3A_21 = arith.constant 0 : index
    %get3A_22 = vector.load %arg3[%get3A_19, %get3A_20, %get3A_21] : memref<1x1000x128xf32, #tpu.memory_space<vmem>>, vector<1x1000x128xf32>
    %get3A_23 = vector.shape_cast %get3A_22 : vector<1x1000x128xf32> to vector<1000x128xf32>
    %convert_element_type3A_24 = arith.truncf %get3A_23 : vector<1000x128xf32> to vector<1000x128xbf16>
    %get3A_25 = arith.constant 0 : index
    %get3A_26 = arith.constant 0 : index
    %get3A_27 = vector.load %arg6[%get3A_25, %get3A_26] : memref<128x256xf32, #tpu.memory_space<vmem>>, vector<128x256xf32>
    %convert_element_type3A_28 = arith.truncf %get3A_27 : vector<128x256xf32> to vector<128x256xbf16>
    %dot_general3A_29 = arith.constant dense<0.000000e+00> : vector<1000x256xf32>
    %dot_general3A_30 = tpu.matmul %convert_element_type3A_24, %convert_element_type3A_28, %dot_general3A_29 {dimension_numbers = #tpu.dot_dimension_numbers<[1], [0], [0], [1], [0, 0, 1, 1], [], []>, transpose_lhs_hint = false} : vector<1000x128xbf16>, vector<128x256xbf16>, vector<1000x256xf32> -> vector<1000x256xf32>
    %add3A_31 = arith.addf %add3A, %dot_general3A_30 : vector<1000x256xf32>
    %get3A_32 = arith.constant 0 : index
    %get3A_33 = arith.constant 0 : index
    %get3A_34 = vector.load %arg7[%get3A_32, %get3A_33] : memref<1x256xf32, #tpu.memory_space<vmem>>, vector<1x256xf32>
    %add3A_35 = vector.broadcast %get3A_34 : vector<1x256xf32> to vector<1000x256xf32>
    %add3A_36 = arith.addf %add3A_31, %add3A_35 : vector<1000x256xf32>
    %max3A = arith.constant 0.000000e+00 : f32
    %max3A_37 = vector.broadcast %max3A : f32 to vector<1000x256xf32>
    %max3A_38 = arith.maximumf %add3A_36, %max3A_37 : vector<1000x256xf32>
    %swap3A = arith.constant 0 : index
    %swap3A_39 = arith.constant 0 : index
    %swap3A_40 = vector.load %arg8[%swap3A, %swap3A_39] : memref<1000x256xf32, #tpu.memory_space<vmem>>, vector<1000x256xf32>
    tpu.vector_store %arg8[%swap3A, %swap3A_39], %max3A_38 {strides = array<i32>} : memref<1000x256xf32, #tpu.memory_space<vmem>>, vector<1000x256xf32>,
    return
  }
  func.func @transform_0(%arg0: i32) -> (i32, i32) {
    %c0_i32 = arith.constant 0 : i32
    %c0_i32_0 = arith.constant 0 : i32
    return %arg0, %c0_i32 : i32, i32
  }
  func.func @transform_1(%arg0: i32) -> (i32, i32, i32) {
    %c0_i32 = arith.constant 0 : i32
    %c0_i32_0 = arith.constant 0 : i32
    %c0_i32_1 = arith.constant 0 : i32
    return %c0_i32, %arg0, %c0_i32_0 : i32, i32, i32
  }
  func.func @transform_2(%arg0: i32) -> (i32, i32, i32) {
    %c1_i32 = arith.constant 1 : i32
    %c0_i32 = arith.constant 0 : i32
    %c0_i32_0 = arith.constant 0 : i32
    return %c1_i32, %arg0, %c0_i32 : i32, i32, i32
  }
  func.func @transform_3(%arg0: i32) -> (i32, i32) {
    %c0_i32 = arith.constant 0 : i32
    %c0_i32_0 = arith.constant 0 : i32
    %c0_i32_1 = arith.constant 0 : i32
    return %c0_i32, %c0_i32_0 : i32, i32
  }
  func.func @transform_4(%arg0: i32) -> (i32, i32) {
    %c0_i32 = arith.constant 0 : i32
    %c0_i32_0 = arith.constant 0 : i32
    %c0_i32_1 = arith.constant 0 : i32
    return %c0_i32, %c0_i32_0 : i32, i32
  }
  func.func @transform_5(%arg0: i32) -> (i32, i32) {
    %c0_i32 = arith.constant 0 : i32
    %c0_i32_0 = arith.constant 0 : i32
    %c0_i32_1 = arith.constant 0 : i32
    return %c0_i32, %c0_i32_0 : i32, i32
  }
  func.func @transform_6(%arg0: i32) -> (i32, i32) {
    %c0_i32 = arith.constant 0 : i32
    %c0_i32_0 = arith.constant 0 : i32
    %c0_i32_1 = arith.constant 0 : i32
    return %c0_i32, %c0_i32_0 : i32, i32
  }
  func.func @transform_7(%arg0: i32) -> (i32, i32) {
    %c0_i32 = arith.constant 0 : i32
    %c0_i32_0 = arith.constant 0 : i32
    return %arg0, %c0_i32 : i32, i32
  }
}

</mosaic_0001>

<sc_bundles>
// kernel: kernel.4.cloned.1.call-start
scs
__scs_entry_jumppad:
0x0: {  	(pc) =	sbr.rel $0x88, $3  }
0x1: {  	(tag) =	ssettag $0x0;
	lr =	simm.s32 $0x1  }
0x2: {  	[smem:$0x3F9D] =	sst lr;
	_ =	strace $0xD0000000  }
0x3: {  	_ = 	snop  }
0x4: {  	_ = 	snop  }
0x5: {  	_ = 	snop  }
0x6: {  	_ = 	snop  }
0x7: {  	_ = 	snop  }
__scs_overlays_trampoline_lowered:
0x8: {  	[smem:$0x3FAC] =	sst s0  }
0x9: {  	[smem:$0x3FAD] =	sst s1  }
0xa: {  	[smem:$0x3FAE] =	sst s2  }
0xb: {  	[smem:$0x3FAF] =	sst s3  }
0xc: {  	[smem:$0x3FB0] =	sst s4  }
0xd: {  	[smem:$0x3FB1] =	sst s5  }
0xe: {  	[smem:$0x3FB2] =	sst s6  }
0xf: {  	[smem:$0x3FB3] =	sst s7  }
0x10: {  	[smem:$0x3FB4] =	sst s8  }
0x11: {  	[smem:$0x3FB5] =	sst s9;
	s0 =	simm.s32 @!p0 $0x0  }
0x12: {  	s1 =	sld [smem:$0x3F9B];
	s0 =	simm.s32 @p0 $0x1  }
0x13: {  	[smem:$0x3FB6] =	sst s0;
	s0 =	simm.s32 @!p1 $0x0  }
0x14: {  	s2 =	sld [smem:$0x3F9A];
	s0 =	simm.s32 @p1 $0x1  }
0x15: {  	[smem:$0x3FB7] =	sst s0;
	s0 =	simm.s32 @!p2 $0x0  }
0x16: {  	s3 =	sld [smem:$0x3FDB];
	s0 =	simm.s32 @p2 $0x1  }
0x17: {  	s4 =	simm.s32 $0x1BF5;
	[smem:$0x3FB9] =	sst s0  }
0x18: {  	s0 =	sld [smem:$0x3F9C];
	_ =	swait.ge [sflag:s4], $0x0  }
0x19: {  	s7 =	sld [smem:$0x3F9D]  }
0x1a: {  	s8 =	sadd.s32 $0xFFFFE003, lr  }
0x1b: {  	s9 =	sadd.s32 $0xFFFFFEF7, lr;
	s5 =	simm.s32 $0xFFFFFFFF;
	p2 =	slt.u32 s8, $0xFFFFF086  }
0x1c: {  	p1 =	slt.u32 s9, $0xF7A;
	s5 =	simm.s32 @!p2 $0x0  }
0x1d: {  	s5 =	simm.s32 @p1 $0x1;
	p0 =	seq.s32 s7, s2  }
0x1e: {  	s7 =	smul.u32 @!p0 $0xF7A, s2;
	p2 =	seq.s32 @!p0 s5, $0x0  }
0x1f: {  	s9 =	smul.u32 $0xF7A, s1;
	s8 =	simm.s32 @!p0 $0x1BF5;
	p2 =	por !p2, p0  }
0x20: {  	[sflag:s8] =	ssyncset.s32 @!p0 $0xFFFFF086;
	s6 =	sadd.s32 @!p0 s3, s7;
	s7 =	simm.s32 @!p0 $0x108  }
0x21: {  	s3 =	sadd.s32 s3, s9;
	s6 =	sadd.s32 @!p0 $0x88, s6;
	s7 =	simm.s32 @p2 $0x1082  }
0x22: {  	[simem:s7], [sflag:s8] =	dma.local @!p0 [hbm:s6], $0xF7A  }
0x23: {  	s9 =	sor.u32 $0xD0000000, s2;
	s6 =	simm.s32 $0x108;
	_ =	swait.ge @!p0 [sflag:s8], $0x0  }
0x24: {  	s3 =	sadd.s32 $0x88, s3;
	s6 =	simm.s32 @!p1 $0x1082;
	[sflag:s4] =	ssyncset.s32 $0xFFFFF086  }
0x25: {  	[simem:s6], [sflag:s4] =	dma.local [hbm:s3], $0xF7A  }
0x26: {  	[smem:$0x3F9D] =	sst s1;
	(tag) =	ssettag s2;
	_ =	strace s9  }
0x27: {  	s1 =	sld [smem:$0x3FAD]  }
0x28: {  	s2 =	sld [smem:$0x3FAE]  }
0x29: {  	s4 =	sld [smem:$0x3FB0]  }
0x2a: {  	p0 =	seq.s32 s5, $0x0;
	s5 =	sld [smem:$0x3FB1]  }
0x2b: {  	s6 =	sld [smem:$0x3FB2]  }
0x2c: {  	s7 =	sld [smem:$0x3FB3]  }
0x2d: {  	s3 =	simm.s32 $0x108;
	s8 =	sld [smem:$0x3FB4]  }
0x2e: {  	s3 =	simm.s32 @!p0 $0x1082;
	s9 =	sld [smem:$0x3FB5]  }
0x2f: {  	lr =	sadd.s32 s0, s3;
	s0 =	sld [smem:$0x3FAC]  }
0x30: {  	s3 =	sld [smem:$0x3FAF]  }
0x31: {  	[smem:$0x3FB8] =	sst s10  }
0x32: {  	s10 =	sld [smem:$0x3FB6];
	_ =	sdelay $0x3  }
0x33: {  	p0 =	seq.s32 s10, $0x1;
	s10 =	sld [smem:$0x3FB8];
	_ =	sdelay $0x3  }
0x34: {  	[smem:$0x3FB8] =	sst s10  }
0x35: {  	s10 =	sld [smem:$0x3FB7];
	_ =	sdelay $0x3  }
0x36: {  	p1 =	seq.s32 s10, $0x1;
	s10 =	sld [smem:$0x3FB8];
	_ =	sdelay $0x3  }
0x37: {  	[smem:$0x3FB8] =	sst s10  }
0x38: {  	s10 =	sld [smem:$0x3FB9]  }
0x39: {  	_ = 	snop;
	(pc) =	sbr.ind lr, $3  }
0x3a: {  	_ = 	snop  }
0x3b: {  	_ = 	snop  }
0x3c: {  	p2 =	seq.s32 s10, $0x1;
	s10 =	sld [smem:$0x3FB8]  }
0x3d: {  	_ =	shalt  }
0x3e: {  	_ =	shalt  }
0x3f: {  	_ =	shalt  }
0x40: {  	_ =	shalt  }
0x41: {  	_ =	shalt  }
0x42: {  	_ =	shalt  }
0x43: {  	_ =	shalt  }
0x44: {  	_ =	shalt  }
0x45: {  	_ =	shalt  }
0x46: {  	_ =	shalt  }
0x47: {  	_ =	shalt  }
0x48: {  	_ =	shalt  }
0x49: {  	_ =	shalt  }
0x4a: {  	_ =	shalt  }
0x4b: {  	_ =	shalt  }
0x4c: {  	_ =	shalt  }
0x4d: {  	_ =	shalt  }
0x4e: {  	_ =	shalt  }
0x4f: {  	_ =	shalt  }
0x50: {  	_ =	shalt  }
0x51: {  	_ =	shalt  }
0x52: {  	_ =	shalt  }
0x53: {  	_ =	shalt  }
0x54: {  	_ =	shalt  }
0x55: {  	_ =	shalt  }
0x56: {  	_ =	shalt  }
0x57: {  	_ =	shalt  }
0x58: {  	_ =	shalt  }
0x59: {  	_ =	shalt  }
0x5a: {  	_ =	shalt  }
0x5b: {  	_ =	shalt  }
0x5c: {  	_ =	shalt  }
0x5d: {  	_ =	shalt  }
0x5e: {  	_ =	shalt  }
0x5f: {  	_ =	shalt  }
0x60: {  	_ =	shalt  }
0x61: {  	_ =	shalt  }
0x62: {  	_ =	shalt  }
0x63: {  	_ =	shalt  }
0x64: {  	_ =	shalt  }
0x65: {  	_ =	shalt  }
0x66: {  	_ =	shalt  }
0x67: {  	_ =	shalt  }
0x68: {  	_ =	shalt  }
0x69: {  	_ =	shalt  }
0x6a: {  	_ =	shalt  }
0x6b: {  	_ =	shalt  }
0x6c: {  	_ =	shalt  }
0x6d: {  	_ =	shalt  }
0x6e: {  	_ =	shalt  }
0x6f: {  	_ =	shalt  }
0x70: {  	_ =	shalt  }
0x71: {  	_ =	shalt  }
0x72: {  	_ =	shalt  }
0x73: {  	_ =	shalt  }
0x74: {  	_ =	shalt  }
0x75: {  	_ =	shalt  }
0x76: {  	_ =	shalt  }
0x77: {  	_ =	shalt  }
0x78: {  	_ =	shalt  }
0x79: {  	_ =	shalt  }
0x7a: {  	_ =	shalt  }
0x7b: {  	_ =	shalt  }
0x7c: {  	_ =	shalt  }
0x7d: {  	_ =	shalt  }
0x7e: {  	_ =	shalt  }
0x7f: {  	_ =	shalt  }
0x80: {  	_ =	shalt  }
0x81: {  	_ =	shalt  }
0x82: {  	_ =	shalt  }
0x83: {  	_ =	shalt  }
0x84: {  	_ =	shalt  }
0x85: {  	_ =	shalt  }
0x86: {  	_ =	shalt  }
0x87: {  	_ =	shalt  }
.Lfunc_end0:
.L_simem_size_0:
called_computation_lowered:
.L_overlay_start_0:
0x88: {  	s2 =	sld [smem:$0x3FD9]  }
0x89: {  	s3 =	sld [smem:$0x3FFE];
	_ =	sdelay $0x1  }
0x8a: {  	s1 =	srdreg.scid  }
0x8b: {  	s0 =	sand.u32 $0x1, s1  }
0x8c: {  	s17 =	sshll.u32 s0, $0xA;
	s2 =	sadd.s32 s3, s2  }
0x8d: {  	s2 =	sadd.s32 s2, s17  }
0x8e: {  	[smem:$0x3FC4] =	sst s2  }
0x8f: {  	_ = 	snop  }
0x90: {  	s2 =	sld [smem:$0x3FD0];
	(tm) =	ssettm $0x1  }
0x91: {  	s18 =	sld [smem:$0x3FFB];
	_ =	sdelay $0x3  }
0x92: {  	_ =	strace s18  }
0x93: {  	s3 =	sld [smem:$0x3FFC];
	_ =	sdelay $0x3  }
0x94: {  	_ =	strace s3  }
0x95: {  	s3 =	sld [smem:$0x3FFD];
	_ =	sdelay $0x3  }
0x96: {  	_ =	strace s3  }
0x97: {  	_ =	strace $0x8FFFFFFF  }
0x98: {  	s19 =	sld [smem:$0x3FDB];
	_ =	sdelay $0x1  }
0x99: {  	s4 =	simm.s32 $_scs_section_size  }
0x9a: {  	s5 =	simm.s32 $_size__tile_overlayer_lowered;
	s6 =	simm.s32 $_tile_overlayer_lowered  }
0x9b: {  	s22 =	simm.s32 $0x1BFF;
	s21 =	sshll.u32 s6, $0x1;
	s3 =	sadd.s32 s4, s19  }
0x9c: {  	s7 =	simm.s32 $0x0;
	s20 =	sshll.u32 s5, $0x1;
	s5 =	sadd.s32 s21, s3  }
0x9d: {  	[timem:s7], [sflag:s22] =	dma.local [hbm:s5], s20  }
0x9e: {  	_ =	swait.ge [sflag:s22], s20  }
0x9f: {  	s4 =	ssub.s32 $0x0, s20;
	[sflag:s22] =	ssyncset.done $0x0  }
0xa0: {  	[sflag:s22] =	ssyncadd.s32 s4;
	_ =	sdelay $0x1  }
0xa1: {  	s23 =	simm.s32 $0x1B8B  }
0xa2: {  	_ =	swait.ge [sflag:s23], $0x1  }
0xa3: {  	[sflag:s23] =	ssyncset.done $0x0  }
0xa4: {  	s25 =	simm.s32 $0x1B8E;
	s24 =	sld [smem:$0x3FFE];
	[sflag:s23] =	ssyncadd.s32 $0xFFFFFFFF  }
0xa5: {  	s26 =	simm.s32 $execute0_lowered;
	[smem:$0x3FD2] =	sst s25  }
0xa6: {  	s5 =	sshll.u32 s26, $0x1;
	_ =	strace $0x80000046;
	[dreg:$0x1] =	wrdreg $0xFFFFFFFF  }
0xa7: {  	s28 =	simm.s32 $_size_execute0_lowered;
	s3 =	sadd.s32 s3, s5;
	[dreg:$0x0] =	wrdreg $0x0  }
0xa8: {  	s5 =	sshll.u32 s28, $0x1;
	[dreg:$0x2] =	wrdreg s3  }
0xa9: {  	[dreg:$0x3] =	wrdreg s5  }
0xaa: {  	[dreg:$0x4] =	wrdreg $0xC0  }
0xab: {  	_ =	task [dreg:s7], $0x5FFFF  }
0xac: {  	[dreg:$0x1] =	wrdreg $0xFFFFFFFF  }
0xad: {  	[dreg:$0x0] =	wrdreg $0x60  }
0xae: {  	[dreg:$0x2] =	wrdreg s2  }
0xaf: {  	[dreg:$0x3] =	wrdreg s24  }
0xb0: {  	[dreg:$0x4] =	wrdreg $0xC0000  }
0xb1: {  	[dreg:$0x5] =	wrdreg $0x9  }
0xb2: {  	_ =	task.clear_ibuf [dreg:s7], $0x6FFFF;
	_ =	strace $0x90000046  }
0xb3: {  	s29 =	simm.s32 $0x9;
	_ =	strace $0x80000048  }
0xb4: {  	_ =	swait.ge [sflag:s29], $0x1  }
0xb5: {  	[sflag:s29] =	ssyncadd.s32 $0xFFFFFFFF  }
0xb6: {  	_ =	strace $0x90000048  }
0xb7: {  	_ =	sfence  }
0xb8: {  	s30 =	sld [smem:$0x0];
	_ =	sdelay $0x2  }
0xb9: {  	s31 =	sshll.u32 s1, $0xD;
	s1 =	sshrl.u32 s1, $0x2  }
0xba: {  	s3 =	sand.u32 $0x4000, s31;
	s1 =	sadd.s32 s1, s30  }
0xbb: {  	s0 =	sor.u32 s3, s0;
	s1 =	sshll.u32 s1, $0x11  }
0xbc: {  	s0 =	sor.u32 s1, s0  }
0xbd: {  	s0 =	sadd.s32 $0x8F2B, s0  }
0xbe: {  	[sflag:s0] =	ssyncadd.remote.s32 $0x1  }
0xbf: {  	_ =	sfence.sel $0xFFFF  }
0xc0: {  	[dreg:$0x0] =	wrdreg $0xFFFFFFFF;
	(pc) =	sbr.abs _section_cstart, $3  }
0xc1: {  	[dreg:$0x1] =	wrdreg $0xFFFFFFFF  }
0xc2: {  	_ =	task.clear_ibuf [dreg:s7], $0x2FFFF;
	_ =	strace $0x9FFFFFFF  }
0xc3: {  	(tm) =	ssettm $0x7FFFFFFF  }
tec
execute0_lowered:
.L_overlay_start_1:
0x0: {  	(tag) =	ssettag $0x1  }
0x1: {  	s1 =	rddreg [dreg:$0x0];
	s0 =	srdreg.scid  }
0x2: {  	s2 =	rddreg [dreg:$0x1];
	s10 =	stileid.u32  }
0x3: {  	s3 =	rddreg [dreg:$0x2];
	s6 =	smul.u32 $0x2800, s10  }
0x4: {  	s4 =	simm.s32 $0x0;
	s28 =	simm.s32 $0x80;
	s8 =	smul.u32 $0x13C00, s10  }
0x5: {  	s29 =	simm.s32 $0x2800;
	s0 =	sand.u32 $0x1, s0;
	s10 =	smul.u32 $0x4F000, s10  }
0x6: {  	s30 =	simm.s32 $0x6800;
	s31 =	simm.s32 $0xA800;
	s5 =	smul.u32 $0x28000, s0  }
0x7: {  	[smem:$0x7FF] =	sst s4;
	s7 =	smul.u32 $0x13C000, s0;
	s0 =	ssub.s32 $0x2, s0  }
0x8: {  	_ =	strace $0x80000047;
	s20 =	sshrl.u32 s0, $0x1;
	s5 =	sadd.s32 s6, s5  }
0x9: {  	s6 =	sshrl.u32 s6, $0x3;
	s19 =	sadd.s32 s8, s7;
	s0 =	ssub.s32 s0, s20  }
0xa: {  	s7 =	simm.s32 $0x2780;
	s8 =	simm.s32 $0x0;
	s5 =	sshrl.u32 s5, $0x3  }
0xb: {  	s11 =	sadd.s32 s6, s2;
	s9 =	sadd.s32 s5, s2;
	s5 =	sshrl.u32 s19, $0x3  }
0xc: {  	s6 =	sshrl.u32 s10, $0x2;
	s22 =	sadd.s32 $0x1200, s11;
	s2 =	sadd.s32 s5, s2  }
0xd: {  	s5 =	sadd.s32 s6, s3;
	s21 =	sadd.s32 $0x6200, s9;
	[dreg:$0x5] =	wrdreg s22  }
0xe: {  	s22 =	sadd.s32 $0x1480, s11;
	s6 =	simm.s32 $0x2700;
	[dreg:$0x4] =	wrdreg s21  }
0xf: {  	s23 =	sadd.s32 $0x1800, s5;
	s24 =	sadd.s32 $0x3000, s5;
	s25 =	sadd.s32 $0x4800, s5  }
0x10: {  	s26 =	sadd.s32 $0x6000, s5;
	s12 =	sadd.s32 $0x7800, s5;
	s13 =	sadd.s32 $0x9000, s5  }
0x11: {  	s14 =	sadd.s32 $0xA800, s5;
	s15 =	sadd.s32 $0xC000, s5;
	[dreg:$0x6] =	wrdreg s23  }
0x12: {  	s16 =	sadd.s32 $0xD800, s5;
	s17 =	sadd.s32 $0xF000, s5;
	[dreg:$0x7] =	wrdreg s24  }
0x13: {  	s18 =	sadd.s32 $0x10800, s5;
	s19 =	sadd.s32 $0x12000, s5;
	[dreg:$0x8] =	wrdreg s25  }
0x14: {  	s20 =	sadd.s32 $0x13800, s5;
	s21 =	sadd.s32 $0x6480, s9;
	[dreg:$0x9] =	wrdreg s26  }
0x15: {  	s23 =	sadd.s32 $0x10200, s2;
	s24 =	smax.u32 s0, $0x1;
	s25 =	simm.s32 $0x3  }
0x16: {  	v0 =	vimm.f32 $0.0e+00;
	s26 =	simm.s32 $0x1400;
	s2 =	simm.s32 $0x1;
	s0 =	simm.s32 $0x2  }
.LBB2_1:
0x17: {  	s9 =	rddreg [dreg:$0x4]  }
0x18: {  	[tilespmem:s4], [sflag:$0x3] =	stream.linear.gather [hbm4b:s9+s4], $0x1400, $0x38;
	[tilespmem:$0x1FC00] =	vst v63  }
0x19: {  	_ =	swait.ge [sflag:s25], $0x1400  }
0x1a: {  	[sflag:s25] =	ssyncset.done $0x0  }
0x1b: {  	s11 =	rddreg [dreg:$0x5];
	[sflag:s25] =	ssyncadd.s32 $0xFFFFEC00  }
0x1c: {  	[tilespmem:s26], [sflag:$0x3] =	stream.linear.gather [hbm4b:s11+s4], $0x1400, $0x38;
	[tilespmem:$0x1FC00] =	vst v63  }
0x1d: {  	_ =	swait.ge [sflag:s25], $0x1400  }
0x1e: {  	[sflag:s25] =	ssyncset.done $0x0  }
0x1f: {  	[sflag:s25] =	ssyncadd.s32 $0xFFFFEC00  }
0x20: {  	[tilespmem:s29], [sflag:$0x1] =	stream.indirect.gather [hbm4b:s1+s28], $0x80, s4, s28, $0xb8;
	[tilespmem:$0x1FC00] =	vst v63  }
0x21: {  	s10 =	simm.s32 $0x200;
	s9 =	simm.s32 $0x0  }
0x22: {  	[tilespmem:s30], [sflag:$0x2] =	stream.indirect.gather [hbm4b:s1+s28], $0x80, s28, s28, $0xb8;
	[tilespmem:$0x1FC00] =	vst v63  }
.LBB2_2:
0x23: {  	p0 =	sne.s32 s10, $0x5E00;
	[tilespmem:s9+$0xA870] =	vst v0  }
0x24: {  	[tilespmem:s9+$0xA800] =	vst v0  }
0x25: {  	[tilespmem:s9+$0xA810] =	vst v0  }
.Ltmp0:
0x26: {  	[tilespmem:s9+$0xA820] =	vst v0;
	(pc) =	sbr.rel @p0 .LBB2_2-.Ltmp0, $4  }
0x27: {  	[tilespmem:s9+$0xA830] =	vst v0  }
0x28: {  	[tilespmem:s9+$0xA840] =	vst v0  }
0x29: {  	[tilespmem:s9+$0xA850] =	vst v0  }
0x2a: {  	[tilespmem:s9+$0xA860] =	vst v0;
	s9 =	sshra.s32 s10, $0x2;
	s10 =	sadd.s32 $0x200, s10  }
0x2b: {  	[tilespmem:s9+$0xA870] =	vst v0  }
0x2c: {  	[tilespmem:s9+$0xA800] =	vst v0  }
0x2d: {  	[tilespmem:s9+$0xA810] =	vst v0  }
0x2e: {  	[tilespmem:s9+$0xA820] =	vst v0  }
0x2f: {  	[tilespmem:s9+$0xA830] =	vst v0  }
0x30: {  	[tilespmem:s9+$0xA840] =	vst v0  }
0x31: {  	[tilespmem:s9+$0xA850] =	vst v0  }
0x32: {  	[tilespmem:s9+$0xA860] =	vst v0  }
0x33: {  	[spmem:s5] =	stream.linear.scatter [tilespmem:s31], [sflag:$0x3], $0x1800, $0x38;
	[tilespmem:$0x1FC00] =	vst v63  }
0x34: {  	_ =	swait.ge [sflag:s25], $0x1800  }
0x35: {  	[sflag:s25] =	ssyncset.done $0x0  }
0x36: {  	s11 =	rddreg [dreg:$0x6];
	[sflag:s25] =	ssyncadd.s32 $0xFFFFE800  }
0x37: {  	[spmem:s11] =	stream.linear.scatter [tilespmem:s31], [sflag:$0x3], $0x1800, $0x38;
	[tilespmem:$0x1FC00] =	vst v63  }
0x38: {  	_ =	swait.ge [sflag:s25], $0x1800  }
0x39: {  	[sflag:s25] =	ssyncset.done $0x0  }
0x3a: {  	s10 =	rddreg [dreg:$0x7];
	[sflag:s25] =	ssyncadd.s32 $0xFFFFE800  }
0x3b: {  	[spmem:s10] =	stream.linear.scatter [tilespmem:s31], [sflag:$0x3], $0x1800, $0x38;
	[tilespmem:$0x1FC00] =	vst v63  }
0x3c: {  	_ =	swait.ge [sflag:s25], $0x1800  }
0x3d: {  	[sflag:s25] =	ssyncset.done $0x0  }
0x3e: {  	s11 =	rddreg [dreg:$0x8];
	[sflag:s25] =	ssyncadd.s32 $0xFFFFE800  }
0x3f: {  	[spmem:s11] =	stream.linear.scatter [tilespmem:s31], [sflag:$0x3], $0x1800, $0x38;
	[tilespmem:$0x1FC00] =	vst v63  }
0x40: {  	_ =	swait.ge [sflag:s25], $0x1800  }
0x41: {  	[sflag:s25] =	ssyncset.done $0x0  }
0x42: {  	s10 =	rddreg [dreg:$0x9];
	[sflag:s25] =	ssyncadd.s32 $0xFFFFE800  }
0x43: {  	[spmem:s10] =	stream.linear.scatter [tilespmem:s31], [sflag:$0x3], $0x1800, $0x38;
	[tilespmem:$0x1FC00] =	vst v63  }
0x44: {  	_ =	swait.ge [sflag:s25], $0x1800  }
0x45: {  	[sflag:s25] =	ssyncset.done $0x0  }
0x46: {  	[sflag:s25] =	ssyncadd.s32 $0xFFFFE800  }
0x47: {  	[spmem:s12] =	stream.linear.scatter [tilespmem:s31], [sflag:$0x3], $0x1800, $0x38;
	[tilespmem:$0x1FC00] =	vst v63  }
0x48: {  	_ =	swait.ge [sflag:s25], $0x1800  }
0x49: {  	[sflag:s25] =	ssyncset.done $0x0  }
0x4a: {  	[sflag:s25] =	ssyncadd.s32 $0xFFFFE800  }
0x4b: {  	[spmem:s13] =	stream.linear.scatter [tilespmem:s31], [sflag:$0x3], $0x1800, $0x38;
	[tilespmem:$0x1FC00] =	vst v63  }
0x4c: {  	_ =	swait.ge [sflag:s25], $0x1800  }
0x4d: {  	[sflag:s25] =	ssyncset.done $0x0  }
0x4e: {  	[sflag:s25] =	ssyncadd.s32 $0xFFFFE800  }
0x4f: {  	[spmem:s14] =	stream.linear.scatter [tilespmem:s31], [sflag:$0x3], $0x1800, $0x38;
	[tilespmem:$0x1FC00] =	vst v63  }
0x50: {  	_ =	swait.ge [sflag:s25], $0x1800  }
0x51: {  	[sflag:s25] =	ssyncset.done $0x0  }
0x52: {  	[sflag:s25] =	ssyncadd.s32 $0xFFFFE800  }
0x53: {  	[spmem:s15] =	stream.linear.scatter [tilespmem:s31], [sflag:$0x3], $0x1800, $0x38;
	[tilespmem:$0x1FC00] =	vst v63  }
0x54: {  	_ =	swait.ge [sflag:s25], $0x1800  }
0x55: {  	[sflag:s25] =	ssyncset.done $0x0  }
0x56: {  	[sflag:s25] =	ssyncadd.s32 $0xFFFFE800  }
0x57: {  	[spmem:s16] =	stream.linear.scatter [tilespmem:s31], [sflag:$0x3], $0x1800, $0x38;
	[tilespmem:$0x1FC00] =	vst v63  }
0x58: {  	_ =	swait.ge [sflag:s25], $0x1800  }
0x59: {  	[sflag:s25] =	ssyncset.done $0x0  }
0x5a: {  	[sflag:s25] =	ssyncadd.s32 $0xFFFFE800  }
0x5b: {  	[spmem:s17] =	stream.linear.scatter [tilespmem:s31], [sflag:$0x3], $0x1800, $0x38;
	[tilespmem:$0x1FC00] =	vst v63  }
0x5c: {  	_ =	swait.ge [sflag:s25], $0x1800  }
0x5d: {  	[sflag:s25] =	ssyncset.done $0x0  }
0x5e: {  	[sflag:s25] =	ssyncadd.s32 $0xFFFFE800  }
0x5f: {  	[spmem:s18] =	stream.linear.scatter [tilespmem:s31], [sflag:$0x3], $0x1800, $0x38;
	[tilespmem:$0x1FC00] =	vst v63  }
0x60: {  	_ =	swait.ge [sflag:s25], $0x1800  }
0x61: {  	[sflag:s25] =	ssyncset.done $0x0  }
0x62: {  	[sflag:s25] =	ssyncadd.s32 $0xFFFFE800  }
0x63: {  	[spmem:s19] =	stream.linear.scatter [tilespmem:s31], [sflag:$0x3], $0x1800, $0x38;
	[tilespmem:$0x1FC00] =	vst v63  }
0x64: {  	_ =	swait.ge [sflag:s25], $0x1800  }
0x65: {  	[sflag:s25] =	ssyncset.done $0x0  }
0x66: {  	[sflag:s25] =	ssyncadd.s32 $0xFFFFE800  }
0x67: {  	[spmem:s20] =	stream.linear.scatter [tilespmem:s31], [sflag:$0x3], $0x400, $0x38;
	[tilespmem:$0x1FC00] =	vst v63  }
0x68: {  	_ =	swait.ge [sflag:s25], $0x400  }
0x69: {  	[sflag:s25] =	ssyncset.done $0x0  }
0x6a: {  	[sflag:s25] =	ssyncadd.s32 $0xFFFFFC00  }
0x6b: {  	[bflag:$0x0] =	sbarrier.arrive $0xFFFF  }
0x6c: {  	_ =	swait.ge [sflag:s2], $0x4000  }
0x6d: {  	[sflag:s2] =	ssyncset.done $0x0  }
0x6e: {  	s11 =	simm.s32 $0x1400;
	[sflag:s2] =	ssyncadd.s32 $0xFFFFC000  }
0x6f: {  	[spmem:s3] =	stream.indirect.scatter.add.f32 [tilespmem:s29], [sflag:$0x3], $0x80, s11, s28, $0xb8;
	[tilespmem:$0x1FC00] =	vst v63  }
0x70: {  	_ =	swait.ge [sflag:s25], $0x4000  }
0x71: {  	[sflag:s25] =	ssyncset.done $0x0  }
0x72: {  	s10 =	simm.s32 $0x100;
	[sflag:s25] =	ssyncadd.s32 $0xFFFFC000  }
0x73: {  	[tilespmem:s29], [sflag:$0x1] =	stream.indirect.gather [hbm4b:s1+s28], $0x80, s10, s28, $0xb8;
	[tilespmem:$0x1FC00] =	vst v63  }
0x74: {  	_ =	swait.ge [sflag:s0], $0x4000  }
0x75: {  	[sflag:s0] =	ssyncset.done $0x0  }
0x76: {  	s11 =	simm.s32 $0x1480;
	[sflag:s0] =	ssyncadd.s32 $0xFFFFC000  }
0x77: {  	[spmem:s3] =	stream.indirect.scatter.add.f32 [tilespmem:s30], [sflag:$0x3], $0x80, s11, s28, $0xb8;
	[tilespmem:$0x1FC00] =	vst v63  }
0x78: {  	_ =	swait.ge [sflag:s25], $0x4000  }
0x79: {  	[sflag:s25] =	ssyncset.done $0x0  }
0x7a: {  	s9 =	simm.s32 $0x400;
	s10 =	simm.s32 $0x180;
	[sflag:s25] =	ssyncadd.s32 $0xFFFFC000  }
.LBB2_4:
0x7b: {  	[tilespmem:s30], [sflag:$0x2] =	stream.indirect.gather [hbm4b:s1+s28], $0x80, s10, s28, $0xb8;
	[tilespmem:$0x1FC00] =	vst v63  }
0x7c: {  	s10 =	smov.u32 s9  }
0x7d: {  	p0 =	sne.s32 s9, $0x4800;
	s9 =	sadd.s32 $0x400, s9;
	_ =	swait.ge [sflag:s2], $0x4000  }
0x7e: {  	s10 =	sshra.s32 s10, $0x2;
	[sflag:s2] =	ssyncset.done $0x0  }
0x7f: {  	s11 =	sadd.s32 $0x1400, s10;
	[sflag:s2] =	ssyncadd.s32 $0xFFFFC000  }
0x80: {  	[spmem:s3] =	stream.indirect.scatter.add.f32 [tilespmem:s29], [sflag:$0x3], $0x80, s11, s28, $0xb8;
	[tilespmem:$0x1FC00] =	vst v63  }
0x81: {  	_ =	swait.ge [sflag:s25], $0x4000  }
0x82: {  	[sflag:s25] =	ssyncset.done $0x0  }
0x83: {  	s11 =	sadd.s32 $0x100, s10;
	[sflag:s25] =	ssyncadd.s32 $0xFFFFC000  }
0x84: {  	[tilespmem:s29], [sflag:$0x1] =	stream.indirect.gather [hbm4b:s1+s28], $0x80, s11, s28, $0xb8;
	[tilespmem:$0x1FC00] =	vst v63  }
0x85: {  	_ =	swait.ge [sflag:s0], $0x4000  }
0x86: {  	[sflag:s0] =	ssyncset.done $0x0  }
.Ltmp1:
0x87: {  	s11 =	sadd.s32 $0x1480, s10;
	[sflag:s0] =	ssyncadd.s32 $0xFFFFC000;
	(pc) =	sbr.rel @p0 .LBB2_4-.Ltmp1, $4  }
0x88: {  	[spmem:s3] =	stream.indirect.scatter.add.f32 [tilespmem:s30], [sflag:$0x3], $0x80, s11, s28, $0xb8;
	[tilespmem:$0x1FC00] =	vst v63  }
0x89: {  	_ =	swait.ge [sflag:s25], $0x4000  }
0x8a: {  	[sflag:s25] =	ssyncset.done $0x0  }
0x8b: {  	s10 =	sadd.s32 $0x180, s10;
	[sflag:s25] =	ssyncadd.s32 $0xFFFFC000  }
0x8c: {  	[tilespmem:s30], [sflag:$0x2] =	stream.indirect.gather [hbm4b:s1+s28], $0x80, s10, s28, $0xb8;
	[tilespmem:$0x1FC00] =	vst v63  }
0x8d: {  	_ =	swait.ge [sflag:s2], $0x4000  }
0x8e: {  	[sflag:s2] =	ssyncset.done $0x0  }
0x8f: {  	[sflag:s2] =	ssyncadd.s32 $0xFFFFC000  }
0x90: {  	[spmem:s3] =	stream.indirect.scatter.add.f32 [tilespmem:s29], [sflag:$0x3], $0x80, s6, s28, $0xb8;
	[tilespmem:$0x1FC00] =	vst v63  }
0x91: {  	_ =	swait.ge [sflag:s25], $0x4000  }
0x92: {  	[sflag:s25] =	ssyncset.done $0x0  }
0x93: {  	[sflag:s25] =	ssyncadd.s32 $0xFFFFC000  }
0x94: {  	_ =	swait.ge [sflag:s0], $0x4000  }
0x95: {  	[sflag:s0] =	ssyncset.done $0x0  }
0x96: {  	[sflag:s0] =	ssyncadd.s32 $0xFFFFC000  }
0x97: {  	[spmem:s3] =	stream.indirect.scatter.add.f32 [tilespmem:s30], [sflag:$0x3], $0x80, s7, s28, $0xb8;
	[tilespmem:$0x1FC00] =	vst v63  }
0x98: {  	_ =	swait.ge [sflag:s25], $0x4000  }
0x99: {  	[sflag:s25] =	ssyncset.done $0x0  }
0x9a: {  	s9 =	simm.s32 $0x0;
	[sflag:s25] =	ssyncadd.s32 $0xFFFFC000  }
0x9b: {  	[tilespmem:s9], [sflag:$0x3] =	stream.linear.gather [hbm4b:s21+s9], $0x1400, $0x38;
	[tilespmem:$0x1FC00] =	vst v63  }
0x9c: {  	_ =	swait.ge [sflag:s25], $0x1400  }
0x9d: {  	[sflag:s25] =	ssyncset.done $0x0  }
0x9e: {  	[sflag:s25] =	ssyncadd.s32 $0xFFFFEC00  }
0x9f: {  	[tilespmem:s26], [sflag:$0x3] =	stream.linear.gather [hbm4b:s22+s9], $0x1400, $0x38;
	[tilespmem:$0x1FC00] =	vst v63  }
0xa0: {  	_ =	swait.ge [sflag:s25], $0x1400  }
0xa1: {  	[sflag:s25] =	ssyncset.done $0x0  }
0xa2: {  	[sflag:s25] =	ssyncadd.s32 $0xFFFFEC00  }
0xa3: {  	[tilespmem:s29], [sflag:$0x1] =	stream.indirect.gather [hbm4b:s1+s28], $0x80, s9, s28, $0xb8;
	[tilespmem:$0x1FC00] =	vst v63  }
0xa4: {  	_ = 	snop  }
0xa5: {  	[tilespmem:s30], [sflag:$0x2] =	stream.indirect.gather [hbm4b:s1+s28], $0x80, s28, s28, $0xb8;
	[tilespmem:$0x1FC00] =	vst v63  }
0xa6: {  	_ =	swait.ge [sflag:s2], $0x4000  }
0xa7: {  	[sflag:s2] =	ssyncset.done $0x0  }
0xa8: {  	s11 =	simm.s32 $0x1400;
	[sflag:s2] =	ssyncadd.s32 $0xFFFFC000  }
0xa9: {  	[spmem:s3] =	stream.indirect.scatter.add.f32 [tilespmem:s29], [sflag:$0x3], $0x80, s11, s28, $0xb8;
	[tilespmem:$0x1FC00] =	vst v63  }
0xaa: {  	_ =	swait.ge [sflag:s25], $0x4000  }
0xab: {  	[sflag:s25] =	ssyncset.done $0x0  }
0xac: {  	s10 =	simm.s32 $0x100;
	[sflag:s25] =	ssyncadd.s32 $0xFFFFC000  }
0xad: {  	[tilespmem:s29], [sflag:$0x1] =	stream.indirect.gather [hbm4b:s1+s28], $0x80, s10, s28, $0xb8;
	[tilespmem:$0x1FC00] =	vst v63  }
0xae: {  	_ =	swait.ge [sflag:s0], $0x4000  }
0xaf: {  	[sflag:s0] =	ssyncset.done $0x0  }
0xb0: {  	s11 =	simm.s32 $0x1480;
	[sflag:s0] =	ssyncadd.s32 $0xFFFFC000  }
0xb1: {  	[spmem:s3] =	stream.indirect.scatter.add.f32 [tilespmem:s30], [sflag:$0x3], $0x80, s11, s28, $0xb8;
	[tilespmem:$0x1FC00] =	vst v63  }
0xb2: {  	_ =	swait.ge [sflag:s25], $0x4000  }
0xb3: {  	[sflag:s25] =	ssyncset.done $0x0  }
0xb4: {  	s9 =	simm.s32 $0x400;
	s10 =	simm.s32 $0x180;
	[sflag:s25] =	ssyncadd.s32 $0xFFFFC000  }
.LBB2_6:
0xb5: {  	[tilespmem:s30], [sflag:$0x2] =	stream.indirect.gather [hbm4b:s1+s28], $0x80, s10, s28, $0xb8;
	[tilespmem:$0x1FC00] =	vst v63  }
0xb6: {  	s10 =	smov.u32 s9  }
0xb7: {  	p0 =	sne.s32 s9, $0x4800;
	s9 =	sadd.s32 $0x400, s9;
	_ =	swait.ge [sflag:s2], $0x4000  }
0xb8: {  	s10 =	sshra.s32 s10, $0x2;
	[sflag:s2] =	ssyncset.done $0x0  }
0xb9: {  	s11 =	sadd.s32 $0x1400, s10;
	[sflag:s2] =	ssyncadd.s32 $0xFFFFC000  }
0xba: {  	[spmem:s3] =	stream.indirect.scatter.add.f32 [tilespmem:s29], [sflag:$0x3], $0x80, s11, s28, $0xb8;
	[tilespmem:$0x1FC00] =	vst v63  }
0xbb: {  	_ =	swait.ge [sflag:s25], $0x4000  }
0xbc: {  	[sflag:s25] =	ssyncset.done $0x0  }
0xbd: {  	s11 =	sadd.s32 $0x100, s10;
	[sflag:s25] =	ssyncadd.s32 $0xFFFFC000  }
0xbe: {  	[tilespmem:s29], [sflag:$0x1] =	stream.indirect.gather [hbm4b:s1+s28], $0x80, s11, s28, $0xb8;
	[tilespmem:$0x1FC00] =	vst v63  }
0xbf: {  	_ =	swait.ge [sflag:s0], $0x4000  }
0xc0: {  	[sflag:s0] =	ssyncset.done $0x0  }
.Ltmp2:
0xc1: {  	s11 =	sadd.s32 $0x1480, s10;
	[sflag:s0] =	ssyncadd.s32 $0xFFFFC000;
	(pc) =	sbr.rel @p0 .LBB2_6-.Ltmp2, $4  }
0xc2: {  	[spmem:s3] =	stream.indirect.scatter.add.f32 [tilespmem:s30], [sflag:$0x3], $0x80, s11, s28, $0xb8;
	[tilespmem:$0x1FC00] =	vst v63  }
0xc3: {  	_ =	swait.ge [sflag:s25], $0x4000  }
0xc4: {  	[sflag:s25] =	ssyncset.done $0x0  }
0xc5: {  	s10 =	sadd.s32 $0x180, s10;
	[sflag:s25] =	ssyncadd.s32 $0xFFFFC000  }
0xc6: {  	[tilespmem:s30], [sflag:$0x2] =	stream.indirect.gather [hbm4b:s1+s28], $0x80, s10, s28, $0xb8;
	[tilespmem:$0x1FC00] =	vst v63  }
0xc7: {  	_ =	swait.ge [sflag:s2], $0x4000  }
0xc8: {  	[sflag:s2] =	ssyncset.done $0x0  }
0xc9: {  	[sflag:s2] =	ssyncadd.s32 $0xFFFFC000  }
0xca: {  	[spmem:s3] =	stream.indirect.scatter.add.f32 [tilespmem:s29], [sflag:$0x3], $0x80, s6, s28, $0xb8;
	[tilespmem:$0x1FC00] =	vst v63  }
0xcb: {  	_ =	swait.ge [sflag:s25], $0x4000  }
0xcc: {  	[sflag:s25] =	ssyncset.done $0x0  }
0xcd: {  	[sflag:s25] =	ssyncadd.s32 $0xFFFFC000  }
0xce: {  	_ =	swait.ge [sflag:s0], $0x4000  }
0xcf: {  	[sflag:s0] =	ssyncset.done $0x0  }
0xd0: {  	[sflag:s0] =	ssyncadd.s32 $0xFFFFC000  }
0xd1: {  	[spmem:s3] =	stream.indirect.scatter.add.f32 [tilespmem:s30], [sflag:$0x3], $0x80, s7, s28, $0xb8;
	[tilespmem:$0x1FC00] =	vst v63  }
0xd2: {  	s9 =	stileid.u32;
	_ =	swait.ge [sflag:s25], $0x4000  }
0xd3: {  	s11 =	sshrl.u32 s5, $0x3;
	s8 =	sadd.s32 $0x1, s8;
	[sflag:s25] =	ssyncset.done $0x0  }
0xd4: {  	s9 =	sshll.u32 s9, $0x6;
	p0 =	sne.s32 s8, s24;
	[sflag:s25] =	ssyncadd.s32 $0xFFFFC000  }
.Ltmp3:
0xd5: {  	s9 =	sor.u32 $0x1C03, s9;
	[bflag:$0x0] =	sbarrier.arrive $0xFFFF;
	(pc) =	sbr.rel @p0 .LBB2_1-.Ltmp3, $4  }
0xd6: {  	[hbm:s23], [sflag:s9] =	dma.local [spmem:s11], $0x2780  }
0xd7: {  	_ =	swait.ge [sflag:s25], $0x2780  }
0xd8: {  	[sflag:s25] =	ssyncset.done $0x0  }
0xd9: {  	[sflag:s25] =	ssyncadd.s32 $0xFFFFD880  }
0xda: {  	_ =	sfence.sel $0x180000  }
0xdb: {  	[bflag:$0x0] =	sbarrier.arrive $0xFFFF  }
0xdc: {  	_ =	strace $0x90000047  }
0xdd: {  	s0 =	stileid.u32;
	[bflag:$0x2] =	sbarrier.arrive $0xFFFF  }
0xde: {  	p0 =	sne.s32 s0, $0x0;
	s0 =	rddreg [dreg:$0x3]  }
0xdf: {  	s0 =	sadd.s32 @!p0 $0x100000, s0  }
0xe0: {  	[sflag:s0] =	ssyncadd.tile.s32 @!p0 $0x1;
	_ =	shalt  }
.Lfunc_end2:
_tile_overlayer_lowered:
.L_overlay_start_2:
0xe1: {  	(tag) =	ssettag $0x2  }
0xe2: {  	s0 =	rddreg [dreg:$0x0];
	s2 =	stileid.u32  }
0xe3: {  	s1 =	rddreg [dreg:$0x1];
	p0 =	sne.s32 s2, $0x0  }
0xe4: {  	s3 =	rddreg [dreg:$0x2];
	[bflag:$0x3] =	sbarrier.arrive $0xFFFF;
	s2 =	simm.s32 @!p0 $0x1C03  }
0xe5: {  	[timem:s3], [sflag:s2] =	dma.local @!p0 [hbm:s0], s1  }
0xe6: {  	s0 =	simm.s32 @!p0 $0x3  }
0xe7: {  	_ =	swait.ge @!p0 [sflag:s0], s1  }
0xe8: {  	s1 =	ssub.s32 @!p0 $0x0, s1;
	[sflag:s0] =	ssyncset.done @!p0 $0x0  }
0xe9: {  	[sflag:s0] =	ssyncadd.s32 @!p0 s1  }
0xea: {  	[bflag:$0x3] =	sbarrier.arrive $0xFFFF  }
0xeb: {  	_ =	shalt  }

</sc_bundles>
